<compile_context>
chip_gen: v7x
topology: tpu7x:2x2x1
jax: 0.10.2.dev20260603
libtpu: 0.0.44.dev20260713+nightly
codegen_flags: <defaults>
</compile_context>

<pallas_src>
import functools

import jax
import jax.numpy as jnp
from jax import lax
from jax.experimental import pallas as pl
from jax.experimental.pallas import tpu as pltpu
from jax.experimental.pallas import tpu_sc as plsc

B, L, D = 128, 49, 768
NT = 196
NC = 1000
KEEP_RATIO = (0.75, 0.5, 0.25)
CLF_W, TOK_W, DIST_W = 1.0, 2.0, 0.5

BB = 16
PH = 14


def _teacher_kernel(x_ref, w_ref, tok_ref, sum_ref):
    ph = pl.program_id(0)
    acc = jnp.zeros((B, D), jnp.float32)
    for pw in range(14):
        slab = x_ref[:, 0, :, pw, :, :].reshape(D, B)
        z = jnp.tanh(
            jax.lax.dot_general(slab.astype(jnp.bfloat16), w_ref[...],
                                (((0,), (0,)), ((), ())),
                                preferred_element_type=jnp.float32))
        tok_ref[pw] = z.astype(jnp.bfloat16)
        acc = acc + z

    @pl.when(ph == 0)
    def _():
        sum_ref[...] = acc

    @pl.when(ph > 0)
    def _():
        sum_ref[...] = sum_ref[...] + acc


RPB = 896


def _distill_kernel(g_ref, s_ref, pol_ref, klm_ref, msk_ref):
    mask = (pol_ref[...] > 0.5).astype(jnp.float32)
    msk_ref[...] = mask
    t = g_ref[...].astype(jnp.float32)
    s = s_ref[...]
    mt = jnp.max(t, axis=1, keepdims=True)
    et = jnp.exp(t - mt)
    st = jnp.sum(et, axis=1, keepdims=True)
    lse_t = mt + jnp.log(st)
    ms = jnp.max(s, axis=1, keepdims=True)
    lse_s = ms + jnp.log(jnp.sum(jnp.exp(s - ms), axis=1, keepdims=True))
    kl = (jnp.sum((et / st) * (t - s), axis=1, keepdims=True)
          - lse_t + lse_s)
    klm_ref[...] = kl * mask


NW = 32
GROWS = 6400
GCH = 40
ROW_I32 = D // 2


def _sc_gather(table_i32, idx_flat):
    mesh = plsc.VectorSubcoreMesh(core_axis_name="c", subcore_axis_name="s")

    @functools.partial(
        pl.kernel, mesh=mesh,
        out_type=jax.ShapeDtypeStruct((GROWS, ROW_I32), jnp.int32),
        scratch_types=[
            pltpu.VMEM((GCH,), jnp.int32),
            pltpu.VMEM((GCH, ROW_I32), jnp.int32),
            pltpu.SemaphoreType.DMA,
        ],
    )
    def k(table_hbm, idx_hbm, out_hbm, idx_v, rows_v, sem):
        wid = lax.axis_index("s") * 2 + lax.axis_index("c")
        base = wid * (GROWS // NW)
        for i in range(GROWS // NW // GCH):
            off = base + i * GCH
            pltpu.sync_copy(idx_hbm.at[pl.ds(off, GCH)], idx_v)
            pltpu.async_copy(table_hbm.at[idx_v], rows_v, sem).wait()
            pltpu.sync_copy(rows_v, out_hbm.at[pl.ds(off, GCH)])

    return k(table_i32, idx_flat)


def _losses_kernel(sum_ref, wct_ref, clst_ref, lab_ref, klm_ref, msk_ref,
                   pd0_ref, pd1_ref, pd2_ref,
                   loss_ref, clso_ref, ratio_ref, klo_ref, dist_ref):
    def lse0(x):
        m = jnp.max(x, axis=0, keepdims=True)
        return m + jnp.log(jnp.sum(jnp.exp(x - m), axis=0, keepdims=True))

    mean = sum_ref[...] * (1.0 / NT)
    tct = jax.lax.dot_general(wct_ref[...], mean, (((1,), (1,)), ((), ())),
                              preferred_element_type=jnp.float32)
    clst = clst_ref[...]
    log_t = tct - lse0(tct)
    log_s = clst - lse0(clst)
    kl_loss = jnp.sum(jnp.exp(log_t) * (log_t - log_s)) / B

    iota = jax.lax.broadcasted_iota(jnp.int32, (NC, B), 0)
    oh = (lab_ref[...] == iota).astype(jnp.float32)
    ce = -jnp.sum(log_s * oh) / B

    ratio = 0.0
    for r, pd in zip(KEEP_RATIO, (pd0_ref, pd1_ref, pd2_ref)):
        m = jnp.mean(pd[...], axis=0)
        ratio = ratio + jnp.mean((m - r) ** 2)

    nsel = jnp.sum(msk_ref[...])
    msum = jnp.sum(klm_ref[...])
    dist = jnp.where(nsel < 0.1, 0.0, msum / jnp.maximum(nsel, 1.0))

    cls_term = CLF_W * ce
    ratio_term = TOK_W * ratio / 3.0
    kl_term = DIST_W * kl_loss
    dist_term = DIST_W * dist
    loss_ref[...] = jnp.full((1, 1), cls_term + ratio_term + kl_term + dist_term,
                             jnp.float32)
    clso_ref[...] = jnp.full((1, 1), cls_term, jnp.float32)
    ratio_ref[...] = jnp.full((1, 1), ratio_term, jnp.float32)
    klo_ref[...] = jnp.full((1, 1), kl_term, jnp.float32)
    dist_ref[...] = jnp.full((1, 1), dist_term, jnp.float32)


@jax.jit
def kernel(inputs, cls_t, other_t, policy, pred_dec_0, pred_dec_1, pred_dec_2,
           current_pos, labels, W_patch, W_cls):
    x6 = inputs.transpose(1, 2, 3, 0).reshape(3, 14, 16, 14, 16, B)
    wct = W_cls.transpose(1, 0)
    clst = cls_t.transpose(1, 0)
    pdt = [p.transpose(1, 0) for p in (pred_dec_0, pred_dec_1, pred_dec_2)]
    wp_bf = W_patch.astype(jnp.bfloat16)

    tokens, token_sum = pl.pallas_call(
        _teacher_kernel,
        grid=(PH,),
        in_specs=[
            pl.BlockSpec((3, 1, 16, 14, 16, B), lambda i: (0, i, 0, 0, 0, 0)),
            pl.BlockSpec((D, D), lambda i: (0, 0)),
        ],
        out_specs=[
            pl.BlockSpec((14, B, D), lambda i: (i, 0, 0)),
            pl.BlockSpec((B, D), lambda i: (0, 0)),
        ],
        out_shape=[
            jax.ShapeDtypeStruct((NT, B, D), jnp.bfloat16),
            jax.ShapeDtypeStruct((B, D), jnp.float32),
        ],
    )(x6, wp_bf)

    post = current_pos.transpose(1, 0)
    flat_idx = (post * B + jnp.arange(B, dtype=jnp.int32)[None, :]).reshape(L * B)
    flat_idx = jnp.concatenate(
        [flat_idx, jnp.zeros((GROWS - L * B,), jnp.int32)])
    table_i32 = lax.bitcast_convert_type(
        tokens.reshape(NT * B, ROW_I32, 2), jnp.int32)
    g_i32 = _sc_gather(table_i32, flat_idx)
    g_bf = lax.bitcast_convert_type(g_i32, jnp.bfloat16).reshape(GROWS, D)

    s_flat = other_t.transpose(1, 0, 2).reshape(L * B, D)
    pol_flat = policy.transpose(1, 0).reshape(L * B, 1)

    kl_masked, mask = pl.pallas_call(
        _distill_kernel,
        grid=(L * B // RPB,),
        in_specs=[
            pl.BlockSpec((RPB, D), lambda i: (i, 0)),
            pl.BlockSpec((RPB, D), lambda i: (i, 0)),
            pl.BlockSpec((RPB, 1), lambda i: (i, 0)),
        ],
        out_specs=[
            pl.BlockSpec((RPB, 1), lambda i: (i, 0)),
            pl.BlockSpec((RPB, 1), lambda i: (i, 0)),
        ],
        out_shape=[
            jax.ShapeDtypeStruct((L * B, 1), jnp.float32),
            jax.ShapeDtypeStruct((L * B, 1), jnp.float32),
        ],
    )(g_bf, s_flat, pol_flat)

    outs = pl.pallas_call(
        _losses_kernel,
        out_shape=[jax.ShapeDtypeStruct((1, 1), jnp.float32)] * 5,
    )(token_sum, wct, clst, labels.reshape(1, B), kl_masked, mask,
      pdt[0], pdt[1], pdt[2])

    return tuple(o[0, 0] for o in outs)

# --- scband reference (transcript-rebuilt; emitter-appended) ---
"""Pipeline reference for scband-dy-vmloss-token-only-83897891160353 (READ-ONLY COPY).

The authoritative reference and input builder live on the scoring server;
editing this copy changes nothing except your own understanding.
"""

import jax, jax.numpy as jnp
import numpy as np

B, L, D = 128, 49, 768
NT = 196  # teacher token count (224/16)^2
NC = 1000
KEEP_RATIO = (0.75, 0.5, 0.25)
CLF_W, TOK_W, DIST_W = 1.0, 2.0, 0.5


def _patchify(x):
    # x: [B, 3, 224, 224] -> [B, 196, 768]
    b = x.shape[0]
    x = x.reshape(b, 3, 14, 16, 14, 16)
    x = x.transpose(0, 2, 4, 1, 3, 5)
    return x.reshape(b, NT, 3 * 16 * 16)


def _teacher(inputs, W_patch, W_cls):
    patches = _patchify(inputs)
    tokens = jnp.tanh(patches @ W_patch)          # [B, 196, 768]
    cls = tokens.mean(axis=1) @ W_cls             # [B, 1000]
    return cls, tokens


def setup_inputs(seed: int = 0) -> dict:
    key = jax.random.key(seed)
    ks = jax.random.split(key, 12)
    inp = {}
    inp['inputs'] = jax.random.normal(ks[0], (B, 3, 224, 224), dtype=jnp.float32)
    inp['cls_t'] = jax.random.normal(ks[1], (B, NC), dtype=jnp.float32)
    inp['other_t'] = jax.random.normal(ks[2], (B, L, D), dtype=jnp.float32)
    inp['policy'] = jax.random.uniform(ks[3], (B, L), dtype=jnp.float32)
    inp['pred_dec_0'] = jax.random.uniform(ks[4], (B, NT), dtype=jnp.float32)
    inp['pred_dec_1'] = jax.random.uniform(ks[5], (B, NT), dtype=jnp.float32)
    inp['pred_dec_2'] = jax.random.uniform(ks[6], (B, NT), dtype=jnp.float32)
    inp['current_pos'] = jax.random.randint(ks[7], (B, L), 0, NT, dtype=jnp.int64 if jax.config.jax_enable_x64 else jnp.int32).astype(jnp.int32)
    inp['labels'] = jax.random.randint(ks[8], (B,), 0, NC).astype(jnp.int32)
    # teacher parameters (simulated frozen teacher ViT stub)
    inp['W_patch'] = jax.random.normal(ks[9], (768, D), dtype=jnp.float32) * 0.02
    inp['W_cls'] = jax.random.normal(ks[10], (D, NC), dtype=jnp.float32) * 0.02
    return inp


def _cross_entropy(logits, labels):
    logp = jax.nn.log_softmax(logits, axis=1)
    nll = -jnp.take_along_axis(logp, labels[:, None], axis=1)[:, 0]
    return nll.mean()


def _kl_log_target_batchmean(log_s, log_t):
    # F.kl_div(log_s, log_t, reduction='batchmean', log_target=True)
    return (jnp.exp(log_t) * (log_t - log_s)).sum() / log_s.shape[0]


def reference(inputs, cls_t, other_t, policy, pred_dec_0, pred_dec_1, pred_dec_2, current_pos, labels, W_patch, W_cls):
    # base criterion (CrossEntropyLoss)
    cls_loss = _cross_entropy(cls_t, labels)

    # token ratio loss (dynamic=False branch: score.mean(1))
    token_ratio_loss = 0.0
    for i, score in enumerate((pred_dec_0, pred_dec_1, pred_dec_2)):
        pos_ratio = score.mean(axis=1)
        token_ratio_loss = token_ratio_loss + ((pos_ratio - KEEP_RATIO[i]) ** 2).mean()

    # teacher forward under no_grad
    teacher_cls_t, teacher_other_full = _teacher(inputs, W_patch, W_cls)
    teacher_cls_t = jax.lax.stop_gradient(teacher_cls_t)
    teacher_other_full = jax.lax.stop_gradient(teacher_other_full)

    KL_loss = _kl_log_target_batchmean(jax.nn.log_softmax(cls_t, axis=1),
                                       jax.nn.log_softmax(teacher_cls_t, axis=1))

    # gather teacher tokens at kept positions
    teacher_other_t = teacher_other_full[jnp.arange(B)[:, None], current_pos]  # [B, L, D]

    mask = (policy.reshape(B * L) > 0.5).astype(jnp.float32)
    n_sel = mask.sum()
    s = jax.nn.log_softmax(other_t.reshape(B * L, D), axis=1)
    t = jax.nn.log_softmax(teacher_other_t.reshape(B * L, D), axis=1)
    per_row_kl = (jnp.exp(t) * (t - s)).sum(axis=1)
    # batchmean over selected rows; equals masked-sum / n_selected
    token_distill_loss = jnp.where(n_sel < 0.1, 0.0,
                                   (per_row_kl * mask).sum() / jnp.maximum(n_sel, 1.0))

    ratio_term = TOK_W * token_ratio_loss / 3.0
    loss = CLF_W * cls_loss + ratio_term + DIST_W * (KL_loss + token_distill_loss)
    return (loss, CLF_W * cls_loss, ratio_term, DIST_W * KL_loss, DIST_W * token_distill_loss)

if __name__ == "__main__":
    import jax
    _d = setup_inputs()
    print(jax.jit(kernel)(*tuple(_d.values())))

</pallas_src>

<mosaic_0001>
#map = affine_map<(d0, d1) -> (0, 0)>
#map1 = affine_map<(d0, d1) -> (0)>
module attributes {stable_mosaic.version = 14 : i64} {
  func.func @k(%arg0: i32, %arg1: i32, %arg2: memref<25088x384xi32, #tpu.memory_space<hbm>>, %arg3: memref<6400xi32, #tpu.memory_space<hbm>>, %arg4: memref<6400x384xi32, #tpu.memory_space<hbm>>, %arg5: memref<40xi32, #tpu.memory_space<vmem>>, %arg6: memref<40x384xi32, #tpu.memory_space<vmem>>, %arg7: memref<!tpu.dma_semaphore, #tpu.memory_space<semaphore_mem>>) attributes {dimension_semantics = [#tpu.dimension_semantics<core_parallel>, #tpu.dimension_semantics<subcore_parallel>], iteration_bounds = array<i64: 2, 16>, scalar_prefetch = 0 : i64, scratch_operands = 3 : i64, tpu.core_type = #tpu.core_type<sc_vector_subcore>, window_params = [{transform_indices = #map}, {transform_indices = #map1}, {transform_indices = #map}]} {
    %mul3A = arith.constant 2 : i32
    %mul3A_0 = arith.muli %arg1, %mul3A : i32
    %add3A = arith.addi %mul3A_0, %arg0 : i32
    %mul3A_1 = arith.constant 200 : i32
    %mul3A_2 = arith.muli %add3A, %mul3A_1 : i32
    %add3A_3 = arith.constant 0 : i32
    %add3A_4 = arith.addi %mul3A_2, %add3A_3 : i32
    "tpu.region"() ({
      %run_scoped3A = tpu.sem_alloc : memref<!tpu.dma_semaphore, #tpu.memory_space<semaphore_mem>>
      %dma_start3A_41 = tpu.memref_slice %arg3[%add3A_4] : memref<6400xi32, #tpu.memory_space<hbm>> -> memref<40xi32, #tpu.memory_space<hbm>>
      %dma_start3A_42 = tpu.memref_slice %arg3[%add3A_4] : memref<6400xi32, #tpu.memory_space<hbm>> -> memref<40xi32, #tpu.memory_space<hbm>>
      tpu.enqueue_dma source(%dma_start3A_42 : memref<40xi32, #tpu.memory_space<hbm>>) target(%arg5 : memref<40xi32, #tpu.memory_space<vmem>>) target_semaphore(%run_scoped3A : memref<!tpu.dma_semaphore, #tpu.memory_space<semaphore_mem>>)
      %dma_wait3A_43 = tpu.memref_slice %arg3[%add3A_4] : memref<6400xi32, #tpu.memory_space<hbm>> -> memref<40xi32, #tpu.memory_space<hbm>>
      %dma_wait3A_44 = tpu.memref_slice %arg3[%add3A_4] : memref<6400xi32, #tpu.memory_space<hbm>> -> memref<40xi32, #tpu.memory_space<hbm>>
      tpu.wait_dma2 semaphore(%run_scoped3A : memref<!tpu.dma_semaphore, #tpu.memory_space<semaphore_mem>>) src(%dma_wait3A_44 : memref<40xi32, #tpu.memory_space<hbm>>) dst(%arg5 : memref<40xi32, #tpu.memory_space<vmem>>)
      tpu.yield
    }) : () -> ()
    %dma_start3A = arith.constant 0 : i32
    %dma_start3A_5 = arith.constant 0 : i32
    %dma_start3A_6 = tpu.memref_slice %arg2[%dma_start3A, %dma_start3A_5] : memref<25088x384xi32, #tpu.memory_space<hbm>> -> memref<25088x384xi32, #tpu.memory_space<hbm>>
    tpu.enqueue_indirect_dma source(%dma_start3A_6 : memref<25088x384xi32, #tpu.memory_space<hbm>>) target(%arg6 : memref<40x384xi32, #tpu.memory_space<vmem>>) offsets(%arg5 : memref<40xi32, #tpu.memory_space<vmem>>) semaphore(%arg7 : memref<!tpu.dma_semaphore, #tpu.memory_space<semaphore_mem>>)
    %dma_wait3A = arith.constant 0 : i32
    %dma_wait3A_7 = arith.constant 0 : i32
    %dma_wait3A_8 = tpu.memref_slice %arg2[%dma_wait3A, %dma_wait3A_7] : memref<25088x384xi32, #tpu.memory_space<hbm>> -> memref<25088x384xi32, #tpu.memory_space<hbm>>
    tpu.wait_indirect_dma semaphore(%arg7 : memref<!tpu.dma_semaphore, #tpu.memory_space<semaphore_mem>>) src(%dma_wait3A_8 : memref<25088x384xi32, #tpu.memory_space<hbm>>) dst(%arg6 : memref<40x384xi32, #tpu.memory_space<vmem>>)
    "tpu.region"() ({
      %run_scoped3A = tpu.sem_alloc : memref<!tpu.dma_semaphore, #tpu.memory_space<semaphore_mem>>
      %dma_start3A_41 = arith.constant 0 : i32
      %dma_start3A_42 = tpu.memref_slice %arg4[%add3A_4, %dma_start3A_41] : memref<6400x384xi32, #tpu.memory_space<hbm>> -> memref<40x384xi32, #tpu.memory_space<hbm>>
      %dma_start3A_43 = arith.constant 0 : i32
      %dma_start3A_44 = tpu.memref_slice %arg4[%add3A_4, %dma_start3A_43] : memref<6400x384xi32, #tpu.memory_space<hbm>> -> memref<40x384xi32, #tpu.memory_space<hbm>>
      tpu.enqueue_dma source(%arg6 : memref<40x384xi32, #tpu.memory_space<vmem>>) target(%dma_start3A_44 : memref<40x384xi32, #tpu.memory_space<hbm>>) target_semaphore(%run_scoped3A : memref<!tpu.dma_semaphore, #tpu.memory_space<semaphore_mem>>)
      %dma_wait3A_45 = arith.constant 0 : i32
      %dma_wait3A_46 = tpu.memref_slice %arg4[%add3A_4, %dma_wait3A_45] : memref<6400x384xi32, #tpu.memory_space<hbm>> -> memref<40x384xi32, #tpu.memory_space<hbm>>
      %dma_wait3A_47 = arith.constant 0 : i32
      %dma_wait3A_48 = tpu.memref_slice %arg4[%add3A_4, %dma_wait3A_47] : memref<6400x384xi32, #tpu.memory_space<hbm>> -> memref<40x384xi32, #tpu.memory_space<hbm>>
      tpu.wait_dma2 semaphore(%run_scoped3A : memref<!tpu.dma_semaphore, #tpu.memory_space<semaphore_mem>>) src(%arg6 : memref<40x384xi32, #tpu.memory_space<vmem>>) dst(%dma_wait3A_48 : memref<40x384xi32, #tpu.memory_space<hbm>>)
      tpu.yield
    }) : () -> ()
    %add3A_9 = arith.constant 40 : i32
    %add3A_10 = arith.addi %mul3A_2, %add3A_9 : i32
    "tpu.region"() ({
      %run_scoped3A = tpu.sem_alloc : memref<!tpu.dma_semaphore, #tpu.memory_space<semaphore_mem>>
      %dma_start3A_41 = tpu.memref_slice %arg3[%add3A_10] : memref<6400xi32, #tpu.memory_space<hbm>> -> memref<40xi32, #tpu.memory_space<hbm>>
      %dma_start3A_42 = tpu.memref_slice %arg3[%add3A_10] : memref<6400xi32, #tpu.memory_space<hbm>> -> memref<40xi32, #tpu.memory_space<hbm>>
      tpu.enqueue_dma source(%dma_start3A_42 : memref<40xi32, #tpu.memory_space<hbm>>) target(%arg5 : memref<40xi32, #tpu.memory_space<vmem>>) target_semaphore(%run_scoped3A : memref<!tpu.dma_semaphore, #tpu.memory_space<semaphore_mem>>)
      %dma_wait3A_43 = tpu.memref_slice %arg3[%add3A_10] : memref<6400xi32, #tpu.memory_space<hbm>> -> memref<40xi32, #tpu.memory_space<hbm>>
      %dma_wait3A_44 = tpu.memref_slice %arg3[%add3A_10] : memref<6400xi32, #tpu.memory_space<hbm>> -> memref<40xi32, #tpu.memory_space<hbm>>
      tpu.wait_dma2 semaphore(%run_scoped3A : memref<!tpu.dma_semaphore, #tpu.memory_space<semaphore_mem>>) src(%dma_wait3A_44 : memref<40xi32, #tpu.memory_space<hbm>>) dst(%arg5 : memref<40xi32, #tpu.memory_space<vmem>>)
      tpu.yield
    }) : () -> ()
    %dma_start3A_11 = arith.constant 0 : i32
    %dma_start3A_12 = arith.constant 0 : i32
    %dma_start3A_13 = tpu.memref_slice %arg2[%dma_start3A_11, %dma_start3A_12] : memref<25088x384xi32, #tpu.memory_space<hbm>> -> memref<25088x384xi32, #tpu.memory_space<hbm>>
    tpu.enqueue_indirect_dma source(%dma_start3A_13 : memref<25088x384xi32, #tpu.memory_space<hbm>>) target(%arg6 : memref<40x384xi32, #tpu.memory_space<vmem>>) offsets(%arg5 : memref<40xi32, #tpu.memory_space<vmem>>) semaphore(%arg7 : memref<!tpu.dma_semaphore, #tpu.memory_space<semaphore_mem>>)
    %dma_wait3A_14 = arith.constant 0 : i32
    %dma_wait3A_15 = arith.constant 0 : i32
    %dma_wait3A_16 = tpu.memref_slice %arg2[%dma_wait3A_14, %dma_wait3A_15] : memref<25088x384xi32, #tpu.memory_space<hbm>> -> memref<25088x384xi32, #tpu.memory_space<hbm>>
    tpu.wait_indirect_dma semaphore(%arg7 : memref<!tpu.dma_semaphore, #tpu.memory_space<semaphore_mem>>) src(%dma_wait3A_16 : memref<25088x384xi32, #tpu.memory_space<hbm>>) dst(%arg6 : memref<40x384xi32, #tpu.memory_space<vmem>>)
    "tpu.region"() ({
      %run_scoped3A = tpu.sem_alloc : memref<!tpu.dma_semaphore, #tpu.memory_space<semaphore_mem>>
      %dma_start3A_41 = arith.constant 0 : i32
      %dma_start3A_42 = tpu.memref_slice %arg4[%add3A_10, %dma_start3A_41] : memref<6400x384xi32, #tpu.memory_space<hbm>> -> memref<40x384xi32, #tpu.memory_space<hbm>>
      %dma_start3A_43 = arith.constant 0 : i32
      %dma_start3A_44 = tpu.memref_slice %arg4[%add3A_10, %dma_start3A_43] : memref<6400x384xi32, #tpu.memory_space<hbm>> -> memref<40x384xi32, #tpu.memory_space<hbm>>
      tpu.enqueue_dma source(%arg6 : memref<40x384xi32, #tpu.memory_space<vmem>>) target(%dma_start3A_44 : memref<40x384xi32, #tpu.memory_space<hbm>>) target_semaphore(%run_scoped3A : memref<!tpu.dma_semaphore, #tpu.memory_space<semaphore_mem>>)
      %dma_wait3A_45 = arith.constant 0 : i32
      %dma_wait3A_46 = tpu.memref_slice %arg4[%add3A_10, %dma_wait3A_45] : memref<6400x384xi32, #tpu.memory_space<hbm>> -> memref<40x384xi32, #tpu.memory_space<hbm>>
      %dma_wait3A_47 = arith.constant 0 : i32
      %dma_wait3A_48 = tpu.memref_slice %arg4[%add3A_10, %dma_wait3A_47] : memref<6400x384xi32, #tpu.memory_space<hbm>> -> memref<40x384xi32, #tpu.memory_space<hbm>>
      tpu.wait_dma2 semaphore(%run_scoped3A : memref<!tpu.dma_semaphore, #tpu.memory_space<semaphore_mem>>) src(%arg6 : memref<40x384xi32, #tpu.memory_space<vmem>>) dst(%dma_wait3A_48 : memref<40x384xi32, #tpu.memory_space<hbm>>)
      tpu.yield
    }) : () -> ()
    %add3A_17 = arith.constant 80 : i32
    %add3A_18 = arith.addi %mul3A_2, %add3A_17 : i32
    "tpu.region"() ({
      %run_scoped3A = tpu.sem_alloc : memref<!tpu.dma_semaphore, #tpu.memory_space<semaphore_mem>>
      %dma_start3A_41 = tpu.memref_slice %arg3[%add3A_18] : memref<6400xi32, #tpu.memory_space<hbm>> -> memref<40xi32, #tpu.memory_space<hbm>>
      %dma_start3A_42 = tpu.memref_slice %arg3[%add3A_18] : memref<6400xi32, #tpu.memory_space<hbm>> -> memref<40xi32, #tpu.memory_space<hbm>>
      tpu.enqueue_dma source(%dma_start3A_42 : memref<40xi32, #tpu.memory_space<hbm>>) target(%arg5 : memref<40xi32, #tpu.memory_space<vmem>>) target_semaphore(%run_scoped3A : memref<!tpu.dma_semaphore, #tpu.memory_space<semaphore_mem>>)
      %dma_wait3A_43 = tpu.memref_slice %arg3[%add3A_18] : memref<6400xi32, #tpu.memory_space<hbm>> -> memref<40xi32, #tpu.memory_space<hbm>>
      %dma_wait3A_44 = tpu.memref_slice %arg3[%add3A_18] : memref<6400xi32, #tpu.memory_space<hbm>> -> memref<40xi32, #tpu.memory_space<hbm>>
      tpu.wait_dma2 semaphore(%run_scoped3A : memref<!tpu.dma_semaphore, #tpu.memory_space<semaphore_mem>>) src(%dma_wait3A_44 : memref<40xi32, #tpu.memory_space<hbm>>) dst(%arg5 : memref<40xi32, #tpu.memory_space<vmem>>)
      tpu.yield
    }) : () -> ()
    %dma_start3A_19 = arith.constant 0 : i32
    %dma_start3A_20 = arith.constant 0 : i32
    %dma_start3A_21 = tpu.memref_slice %arg2[%dma_start3A_19, %dma_start3A_20] : memref<25088x384xi32, #tpu.memory_space<hbm>> -> memref<25088x384xi32, #tpu.memory_space<hbm>>
    tpu.enqueue_indirect_dma source(%dma_start3A_21 : memref<25088x384xi32, #tpu.memory_space<hbm>>) target(%arg6 : memref<40x384xi32, #tpu.memory_space<vmem>>) offsets(%arg5 : memref<40xi32, #tpu.memory_space<vmem>>) semaphore(%arg7 : memref<!tpu.dma_semaphore, #tpu.memory_space<semaphore_mem>>)
    %dma_wait3A_22 = arith.constant 0 : i32
    %dma_wait3A_23 = arith.constant 0 : i32
    %dma_wait3A_24 = tpu.memref_slice %arg2[%dma_wait3A_22, %dma_wait3A_23] : memref<25088x384xi32, #tpu.memory_space<hbm>> -> memref<25088x384xi32, #tpu.memory_space<hbm>>
    tpu.wait_indirect_dma semaphore(%arg7 : memref<!tpu.dma_semaphore, #tpu.memory_space<semaphore_mem>>) src(%dma_wait3A_24 : memref<25088x384xi32, #tpu.memory_space<hbm>>) dst(%arg6 : memref<40x384xi32, #tpu.memory_space<vmem>>)
    "tpu.region"() ({
      %run_scoped3A = tpu.sem_alloc : memref<!tpu.dma_semaphore, #tpu.memory_space<semaphore_mem>>
      %dma_start3A_41 = arith.constant 0 : i32
      %dma_start3A_42 = tpu.memref_slice %arg4[%add3A_18, %dma_start3A_41] : memref<6400x384xi32, #tpu.memory_space<hbm>> -> memref<40x384xi32, #tpu.memory_space<hbm>>
      %dma_start3A_43 = arith.constant 0 : i32
      %dma_start3A_44 = tpu.memref_slice %arg4[%add3A_18, %dma_start3A_43] : memref<6400x384xi32, #tpu.memory_space<hbm>> -> memref<40x384xi32, #tpu.memory_space<hbm>>
      tpu.enqueue_dma source(%arg6 : memref<40x384xi32, #tpu.memory_space<vmem>>) target(%dma_start3A_44 : memref<40x384xi32, #tpu.memory_space<hbm>>) target_semaphore(%run_scoped3A : memref<!tpu.dma_semaphore, #tpu.memory_space<semaphore_mem>>)
      %dma_wait3A_45 = arith.constant 0 : i32
      %dma_wait3A_46 = tpu.memref_slice %arg4[%add3A_18, %dma_wait3A_45] : memref<6400x384xi32, #tpu.memory_space<hbm>> -> memref<40x384xi32, #tpu.memory_space<hbm>>
      %dma_wait3A_47 = arith.constant 0 : i32
      %dma_wait3A_48 = tpu.memref_slice %arg4[%add3A_18, %dma_wait3A_47] : memref<6400x384xi32, #tpu.memory_space<hbm>> -> memref<40x384xi32, #tpu.memory_space<hbm>>
      tpu.wait_dma2 semaphore(%run_scoped3A : memref<!tpu.dma_semaphore, #tpu.memory_space<semaphore_mem>>) src(%arg6 : memref<40x384xi32, #tpu.memory_space<vmem>>) dst(%dma_wait3A_48 : memref<40x384xi32, #tpu.memory_space<hbm>>)
      tpu.yield
    }) : () -> ()
    %add3A_25 = arith.constant 120 : i32
    %add3A_26 = arith.addi %mul3A_2, %add3A_25 : i32
    "tpu.region"() ({
      %run_scoped3A = tpu.sem_alloc : memref<!tpu.dma_semaphore, #tpu.memory_space<semaphore_mem>>
      %dma_start3A_41 = tpu.memref_slice %arg3[%add3A_26] : memref<6400xi32, #tpu.memory_space<hbm>> -> memref<40xi32, #tpu.memory_space<hbm>>
      %dma_start3A_42 = tpu.memref_slice %arg3[%add3A_26] : memref<6400xi32, #tpu.memory_space<hbm>> -> memref<40xi32, #tpu.memory_space<hbm>>
      tpu.enqueue_dma source(%dma_start3A_42 : memref<40xi32, #tpu.memory_space<hbm>>) target(%arg5 : memref<40xi32, #tpu.memory_space<vmem>>) target_semaphore(%run_scoped3A : memref<!tpu.dma_semaphore, #tpu.memory_space<semaphore_mem>>)
      %dma_wait3A_43 = tpu.memref_slice %arg3[%add3A_26] : memref<6400xi32, #tpu.memory_space<hbm>> -> memref<40xi32, #tpu.memory_space<hbm>>
      %dma_wait3A_44 = tpu.memref_slice %arg3[%add3A_26] : memref<6400xi32, #tpu.memory_space<hbm>> -> memref<40xi32, #tpu.memory_space<hbm>>
      tpu.wait_dma2 semaphore(%run_scoped3A : memref<!tpu.dma_semaphore, #tpu.memory_space<semaphore_mem>>) src(%dma_wait3A_44 : memref<40xi32, #tpu.memory_space<hbm>>) dst(%arg5 : memref<40xi32, #tpu.memory_space<vmem>>)
      tpu.yield
    }) : () -> ()
    %dma_start3A_27 = arith.constant 0 : i32
    %dma_start3A_28 = arith.constant 0 : i32
    %dma_start3A_29 = tpu.memref_slice %arg2[%dma_start3A_27, %dma_start3A_28] : memref<25088x384xi32, #tpu.memory_space<hbm>> -> memref<25088x384xi32, #tpu.memory_space<hbm>>
    tpu.enqueue_indirect_dma source(%dma_start3A_29 : memref<25088x384xi32, #tpu.memory_space<hbm>>) target(%arg6 : memref<40x384xi32, #tpu.memory_space<vmem>>) offsets(%arg5 : memref<40xi32, #tpu.memory_space<vmem>>) semaphore(%arg7 : memref<!tpu.dma_semaphore, #tpu.memory_space<semaphore_mem>>)
    %dma_wait3A_30 = arith.constant 0 : i32
    %dma_wait3A_31 = arith.constant 0 : i32
    %dma_wait3A_32 = tpu.memref_slice %arg2[%dma_wait3A_30, %dma_wait3A_31] : memref<25088x384xi32, #tpu.memory_space<hbm>> -> memref<25088x384xi32, #tpu.memory_space<hbm>>
    tpu.wait_indirect_dma semaphore(%arg7 : memref<!tpu.dma_semaphore, #tpu.memory_space<semaphore_mem>>) src(%dma_wait3A_32 : memref<25088x384xi32, #tpu.memory_space<hbm>>) dst(%arg6 : memref<40x384xi32, #tpu.memory_space<vmem>>)
    "tpu.region"() ({
      %run_scoped3A = tpu.sem_alloc : memref<!tpu.dma_semaphore, #tpu.memory_space<semaphore_mem>>
      %dma_start3A_41 = arith.constant 0 : i32
      %dma_start3A_42 = tpu.memref_slice %arg4[%add3A_26, %dma_start3A_41] : memref<6400x384xi32, #tpu.memory_space<hbm>> -> memref<40x384xi32, #tpu.memory_space<hbm>>
      %dma_start3A_43 = arith.constant 0 : i32
      %dma_start3A_44 = tpu.memref_slice %arg4[%add3A_26, %dma_start3A_43] : memref<6400x384xi32, #tpu.memory_space<hbm>> -> memref<40x384xi32, #tpu.memory_space<hbm>>
      tpu.enqueue_dma source(%arg6 : memref<40x384xi32, #tpu.memory_space<vmem>>) target(%dma_start3A_44 : memref<40x384xi32, #tpu.memory_space<hbm>>) target_semaphore(%run_scoped3A : memref<!tpu.dma_semaphore, #tpu.memory_space<semaphore_mem>>)
      %dma_wait3A_45 = arith.constant 0 : i32
      %dma_wait3A_46 = tpu.memref_slice %arg4[%add3A_26, %dma_wait3A_45] : memref<6400x384xi32, #tpu.memory_space<hbm>> -> memref<40x384xi32, #tpu.memory_space<hbm>>
      %dma_wait3A_47 = arith.constant 0 : i32
      %dma_wait3A_48 = tpu.memref_slice %arg4[%add3A_26, %dma_wait3A_47] : memref<6400x384xi32, #tpu.memory_space<hbm>> -> memref<40x384xi32, #tpu.memory_space<hbm>>
      tpu.wait_dma2 semaphore(%run_scoped3A : memref<!tpu.dma_semaphore, #tpu.memory_space<semaphore_mem>>) src(%arg6 : memref<40x384xi32, #tpu.memory_space<vmem>>) dst(%dma_wait3A_48 : memref<40x384xi32, #tpu.memory_space<hbm>>)
      tpu.yield
    }) : () -> ()
    %add3A_33 = arith.constant 160 : i32
    %add3A_34 = arith.addi %mul3A_2, %add3A_33 : i32
    "tpu.region"() ({
      %run_scoped3A = tpu.sem_alloc : memref<!tpu.dma_semaphore, #tpu.memory_space<semaphore_mem>>
      %dma_start3A_41 = tpu.memref_slice %arg3[%add3A_34] : memref<6400xi32, #tpu.memory_space<hbm>> -> memref<40xi32, #tpu.memory_space<hbm>>
      %dma_start3A_42 = tpu.memref_slice %arg3[%add3A_34] : memref<6400xi32, #tpu.memory_space<hbm>> -> memref<40xi32, #tpu.memory_space<hbm>>
      tpu.enqueue_dma source(%dma_start3A_42 : memref<40xi32, #tpu.memory_space<hbm>>) target(%arg5 : memref<40xi32, #tpu.memory_space<vmem>>) target_semaphore(%run_scoped3A : memref<!tpu.dma_semaphore, #tpu.memory_space<semaphore_mem>>)
      %dma_wait3A_43 = tpu.memref_slice %arg3[%add3A_34] : memref<6400xi32, #tpu.memory_space<hbm>> -> memref<40xi32, #tpu.memory_space<hbm>>
      %dma_wait3A_44 = tpu.memref_slice %arg3[%add3A_34] : memref<6400xi32, #tpu.memory_space<hbm>> -> memref<40xi32, #tpu.memory_space<hbm>>
      tpu.wait_dma2 semaphore(%run_scoped3A : memref<!tpu.dma_semaphore, #tpu.memory_space<semaphore_mem>>) src(%dma_wait3A_44 : memref<40xi32, #tpu.memory_space<hbm>>) dst(%arg5 : memref<40xi32, #tpu.memory_space<vmem>>)
      tpu.yield
    }) : () -> ()
    %dma_start3A_35 = arith.constant 0 : i32
    %dma_start3A_36 = arith.constant 0 : i32
    %dma_start3A_37 = tpu.memref_slice %arg2[%dma_start3A_35, %dma_start3A_36] : memref<25088x384xi32, #tpu.memory_space<hbm>> -> memref<25088x384xi32, #tpu.memory_space<hbm>>
    tpu.enqueue_indirect_dma source(%dma_start3A_37 : memref<25088x384xi32, #tpu.memory_space<hbm>>) target(%arg6 : memref<40x384xi32, #tpu.memory_space<vmem>>) offsets(%arg5 : memref<40xi32, #tpu.memory_space<vmem>>) semaphore(%arg7 : memref<!tpu.dma_semaphore, #tpu.memory_space<semaphore_mem>>)
    %dma_wait3A_38 = arith.constant 0 : i32
    %dma_wait3A_39 = arith.constant 0 : i32
    %dma_wait3A_40 = tpu.memref_slice %arg2[%dma_wait3A_38, %dma_wait3A_39] : memref<25088x384xi32, #tpu.memory_space<hbm>> -> memref<25088x384xi32, #tpu.memory_space<hbm>>
    tpu.wait_indirect_dma semaphore(%arg7 : memref<!tpu.dma_semaphore, #tpu.memory_space<semaphore_mem>>) src(%dma_wait3A_40 : memref<25088x384xi32, #tpu.memory_space<hbm>>) dst(%arg6 : memref<40x384xi32, #tpu.memory_space<vmem>>)
    "tpu.region"() ({
      %run_scoped3A = tpu.sem_alloc : memref<!tpu.dma_semaphore, #tpu.memory_space<semaphore_mem>>
      %dma_start3A_41 = arith.constant 0 : i32
      %dma_start3A_42 = tpu.memref_slice %arg4[%add3A_34, %dma_start3A_41] : memref<6400x384xi32, #tpu.memory_space<hbm>> -> memref<40x384xi32, #tpu.memory_space<hbm>>
      %dma_start3A_43 = arith.constant 0 : i32
      %dma_start3A_44 = tpu.memref_slice %arg4[%add3A_34, %dma_start3A_43] : memref<6400x384xi32, #tpu.memory_space<hbm>> -> memref<40x384xi32, #tpu.memory_space<hbm>>
      tpu.enqueue_dma source(%arg6 : memref<40x384xi32, #tpu.memory_space<vmem>>) target(%dma_start3A_44 : memref<40x384xi32, #tpu.memory_space<hbm>>) target_semaphore(%run_scoped3A : memref<!tpu.dma_semaphore, #tpu.memory_space<semaphore_mem>>)
      %dma_wait3A_45 = arith.constant 0 : i32
      %dma_wait3A_46 = tpu.memref_slice %arg4[%add3A_34, %dma_wait3A_45] : memref<6400x384xi32, #tpu.memory_space<hbm>> -> memref<40x384xi32, #tpu.memory_space<hbm>>
      %dma_wait3A_47 = arith.constant 0 : i32
      %dma_wait3A_48 = tpu.memref_slice %arg4[%add3A_34, %dma_wait3A_47] : memref<6400x384xi32, #tpu.memory_space<hbm>> -> memref<40x384xi32, #tpu.memory_space<hbm>>
      tpu.wait_dma2 semaphore(%run_scoped3A : memref<!tpu.dma_semaphore, #tpu.memory_space<semaphore_mem>>) src(%arg6 : memref<40x384xi32, #tpu.memory_space<vmem>>) dst(%dma_wait3A_48 : memref<40x384xi32, #tpu.memory_space<hbm>>)
      tpu.yield
    }) : () -> ()
    return
  }
}

module attributes {stable_mosaic.version = 14 : i64} {
  func.func @_teacher_kernel(%arg0: i32, %arg1: memref<3x1x16x14x16x128xf32, #tpu.memory_space<vmem>>, %arg2: memref<768x768xbf16, #tpu.memory_space<vmem>>, %arg3: memref<14x128x768xbf16, #tpu.memory_space<vmem>>, %arg4: memref<128x768xf32, #tpu.memory_space<vmem>>) attributes {dimension_semantics = [#tpu.dimension_semantics<arbitrary>], iteration_bounds = array<i64: 14>, scalar_prefetch = 0 : i64, scratch_operands = 0 : i64, tpu.core_type = #tpu.core_type<tc>, window_params = [{transform_indices = @transform_0, window_bounds = array<i64: 3, 1, 16, 14, 16, 128>}, {pipeline_mode = #tpu.pipeline_mode<synchronous>, transform_indices = @transform_1, window_bounds = array<i64: 768, 768>}, {transform_indices = @transform_2, window_bounds = array<i64: 14, 128, 768>}, {pipeline_mode = #tpu.pipeline_mode<synchronous>, transform_indices = @transform_3, window_bounds = array<i64: 128, 768>}]} {
    %broadcast_in_dim3A = arith.constant 0.000000e+00 : f32
    %broadcast_in_dim3A_0 = vector.broadcast %broadcast_in_dim3A : f32 to vector<128x768xf32>
    %get3A = arith.constant 0 : index
    %get3A_1 = arith.constant 0 : index
    %get3A_2 = arith.constant 0 : index
    %get3A_3 = arith.constant 0 : index
    %get3A_4 = arith.constant 0 : index
    %get3A_5 = arith.constant 0 : index
    %get3A_6 = vector.load %arg1[%get3A, %get3A_1, %get3A_2, %get3A_3, %get3A_4, %get3A_5] : memref<3x1x16x14x16x128xf32, #tpu.memory_space<vmem>>, vector<3x1x16x1x16x128xf32>
    %get3A_7 = vector.shape_cast %get3A_6 : vector<3x1x16x1x16x128xf32> to vector<3x16x16x128xf32>
    %reshape3A = vector.shape_cast %get3A_7 : vector<3x16x16x128xf32> to vector<768x128xf32>
    %convert_element_type3A = arith.truncf %reshape3A : vector<768x128xf32> to vector<768x128xbf16>
    %get3A_8 = arith.constant 0 : index
    %get3A_9 = arith.constant 0 : index
    %get3A_10 = vector.load %arg2[%get3A_8, %get3A_9] : memref<768x768xbf16, #tpu.memory_space<vmem>>, vector<768x768xbf16>
    %dot_general3A = arith.constant dense<0.000000e+00> : vector<128x768xf32>
    %dot_general3A_11 = tpu.matmul %convert_element_type3A, %get3A_10, %dot_general3A {dimension_numbers = #tpu.dot_dimension_numbers<[0], [0], [1], [1], [0, 1, 1, 1], [], []>, transpose_lhs_hint = false} : vector<768x128xbf16>, vector<768x768xbf16>, vector<128x768xf32> -> vector<128x768xf32>
    %tanh3A = math.tanh %dot_general3A_11 : vector<128x768xf32>
    %convert_element_type3A_12 = arith.truncf %tanh3A : vector<128x768xf32> to vector<128x768xbf16>
    %swap3A = arith.constant 0 : index
    %swap3A_13 = arith.constant 0 : index
    %swap3A_14 = arith.constant 0 : index
    %swap3A_15 = vector.load %arg3[%swap3A, %swap3A_13, %swap3A_14] : memref<14x128x768xbf16, #tpu.memory_space<vmem>>, vector<1x128x768xbf16>
    %swap3A_16 = vector.shape_cast %swap3A_15 : vector<1x128x768xbf16> to vector<128x768xbf16>
    %swap3A_17 = vector.shape_cast %convert_element_type3A_12 : vector<128x768xbf16> to vector<1x128x768xbf16>
    tpu.vector_store %arg3[%swap3A, %swap3A_13, %swap3A_14], %swap3A_17 {strides = array<i32>} : memref<14x128x768xbf16, #tpu.memory_space<vmem>>, vector<1x128x768xbf16>,
    %add3A = arith.addf %broadcast_in_dim3A_0, %tanh3A : vector<128x768xf32>
    %get3A_18 = arith.constant 0 : index
    %get3A_19 = arith.constant 0 : index
    %get3A_20 = arith.constant 0 : index
    %get3A_21 = arith.constant 1 : index
    %get3A_22 = arith.constant 0 : index
    %get3A_23 = arith.constant 0 : index
    %get3A_24 = vector.load %arg1[%get3A_18, %get3A_19, %get3A_20, %get3A_21, %get3A_22, %get3A_23] : memref<3x1x16x14x16x128xf32, #tpu.memory_space<vmem>>, vector<3x1x16x1x16x128xf32>
    %get3A_25 = vector.shape_cast %get3A_24 : vector<3x1x16x1x16x128xf32> to vector<3x16x16x128xf32>
    %reshape3A_26 = vector.shape_cast %get3A_25 : vector<3x16x16x128xf32> to vector<768x128xf32>
    %convert_element_type3A_27 = arith.truncf %reshape3A_26 : vector<768x128xf32> to vector<768x128xbf16>
    %get3A_28 = arith.constant 0 : index
    %get3A_29 = arith.constant 0 : index
    %get3A_30 = vector.load %arg2[%get3A_28, %get3A_29] : memref<768x768xbf16, #tpu.memory_space<vmem>>, vector<768x768xbf16>
    %dot_general3A_31 = arith.constant dense<0.000000e+00> : vector<128x768xf32>
    %dot_general3A_32 = tpu.matmul %convert_element_type3A_27, %get3A_30, %dot_general3A_31 {dimension_numbers = #tpu.dot_dimension_numbers<[0], [0], [1], [1], [0, 1, 1, 1], [], []>, transpose_lhs_hint = false} : vector<768x128xbf16>, vector<768x768xbf16>, vector<128x768xf32> -> vector<128x768xf32>
    %tanh3A_33 = math.tanh %dot_general3A_32 : vector<128x768xf32>
    %convert_element_type3A_34 = arith.truncf %tanh3A_33 : vector<128x768xf32> to vector<128x768xbf16>
    %swap3A_35 = arith.constant 1 : index
    %swap3A_36 = arith.constant 0 : index
    %swap3A_37 = arith.constant 0 : index
    %swap3A_38 = vector.load %arg3[%swap3A_35, %swap3A_36, %swap3A_37] : memref<14x128x768xbf16, #tpu.memory_space<vmem>>, vector<1x128x768xbf16>
    %swap3A_39 = vector.shape_cast %swap3A_38 : vector<1x128x768xbf16> to vector<128x768xbf16>
    %swap3A_40 = vector.shape_cast %convert_element_type3A_34 : vector<128x768xbf16> to vector<1x128x768xbf16>
    tpu.vector_store %arg3[%swap3A_35, %swap3A_36, %swap3A_37], %swap3A_40 {strides = array<i32>} : memref<14x128x768xbf16, #tpu.memory_space<vmem>>, vector<1x128x768xbf16>,
    %add3A_41 = arith.addf %add3A, %tanh3A_33 : vector<128x768xf32>
    %get3A_42 = arith.constant 0 : index
    %get3A_43 = arith.constant 0 : index
    %get3A_44 = arith.constant 0 : index
    %get3A_45 = arith.constant 2 : index
    %get3A_46 = arith.constant 0 : index
    %get3A_47 = arith.constant 0 : index
    %get3A_48 = vector.load %arg1[%get3A_42, %get3A_43, %get3A_44, %get3A_45, %get3A_46, %get3A_47] : memref<3x1x16x14x16x128xf32, #tpu.memory_space<vmem>>, vector<3x1x16x1x16x128xf32>
    %get3A_49 = vector.shape_cast %get3A_48 : vector<3x1x16x1x16x128xf32> to vector<3x16x16x128xf32>
    %reshape3A_50 = vector.shape_cast %get3A_49 : vector<3x16x16x128xf32> to vector<768x128xf32>
    %convert_element_type3A_51 = arith.truncf %reshape3A_50 : vector<768x128xf32> to vector<768x128xbf16>
    %get3A_52 = arith.constant 0 : index
    %get3A_53 = arith.constant 0 : index
    %get3A_54 = vector.load %arg2[%get3A_52, %get3A_53] : memref<768x768xbf16, #tpu.memory_space<vmem>>, vector<768x768xbf16>
    %dot_general3A_55 = arith.constant dense<0.000000e+00> : vector<128x768xf32>
    %dot_general3A_56 = tpu.matmul %convert_element_type3A_51, %get3A_54, %dot_general3A_55 {dimension_numbers = #tpu.dot_dimension_numbers<[0], [0], [1], [1], [0, 1, 1, 1], [], []>, transpose_lhs_hint = false} : vector<768x128xbf16>, vector<768x768xbf16>, vector<128x768xf32> -> vector<128x768xf32>
    %tanh3A_57 = math.tanh %dot_general3A_56 : vector<128x768xf32>
    %convert_element_type3A_58 = arith.truncf %tanh3A_57 : vector<128x768xf32> to vector<128x768xbf16>
    %swap3A_59 = arith.constant 2 : index
    %swap3A_60 = arith.constant 0 : index
    %swap3A_61 = arith.constant 0 : index
    %swap3A_62 = vector.load %arg3[%swap3A_59, %swap3A_60, %swap3A_61] : memref<14x128x768xbf16, #tpu.memory_space<vmem>>, vector<1x128x768xbf16>
    %swap3A_63 = vector.shape_cast %swap3A_62 : vector<1x128x768xbf16> to vector<128x768xbf16>
    %swap3A_64 = vector.shape_cast %convert_element_type3A_58 : vector<128x768xbf16> to vector<1x128x768xbf16>
    tpu.vector_store %arg3[%swap3A_59, %swap3A_60, %swap3A_61], %swap3A_64 {strides = array<i32>} : memref<14x128x768xbf16, #tpu.memory_space<vmem>>, vector<1x128x768xbf16>,
    %add3A_65 = arith.addf %add3A_41, %tanh3A_57 : vector<128x768xf32>
    %get3A_66 = arith.constant 0 : index
    %get3A_67 = arith.constant 0 : index
    %get3A_68 = arith.constant 0 : index
    %get3A_69 = arith.constant 3 : index
    %get3A_70 = arith.constant 0 : index
    %get3A_71 = arith.constant 0 : index
    %get3A_72 = vector.load %arg1[%get3A_66, %get3A_67, %get3A_68, %get3A_69, %get3A_70, %get3A_71] : memref<3x1x16x14x16x128xf32, #tpu.memory_space<vmem>>, vector<3x1x16x1x16x128xf32>
    %get3A_73 = vector.shape_cast %get3A_72 : vector<3x1x16x1x16x128xf32> to vector<3x16x16x128xf32>
    %reshape3A_74 = vector.shape_cast %get3A_73 : vector<3x16x16x128xf32> to vector<768x128xf32>
    %convert_element_type3A_75 = arith.truncf %reshape3A_74 : vector<768x128xf32> to vector<768x128xbf16>
    %get3A_76 = arith.constant 0 : index
    %get3A_77 = arith.constant 0 : index
    %get3A_78 = vector.load %arg2[%get3A_76, %get3A_77] : memref<768x768xbf16, #tpu.memory_space<vmem>>, vector<768x768xbf16>
    %dot_general3A_79 = arith.constant dense<0.000000e+00> : vector<128x768xf32>
    %dot_general3A_80 = tpu.matmul %convert_element_type3A_75, %get3A_78, %dot_general3A_79 {dimension_numbers = #tpu.dot_dimension_numbers<[0], [0], [1], [1], [0, 1, 1, 1], [], []>, transpose_lhs_hint = false} : vector<768x128xbf16>, vector<768x768xbf16>, vector<128x768xf32> -> vector<128x768xf32>
    %tanh3A_81 = math.tanh %dot_general3A_80 : vector<128x768xf32>
    %convert_element_type3A_82 = arith.truncf %tanh3A_81 : vector<128x768xf32> to vector<128x768xbf16>
    %swap3A_83 = arith.constant 3 : index
    %swap3A_84 = arith.constant 0 : index
    %swap3A_85 = arith.constant 0 : index
    %swap3A_86 = vector.load %arg3[%swap3A_83, %swap3A_84, %swap3A_85] : memref<14x128x768xbf16, #tpu.memory_space<vmem>>, vector<1x128x768xbf16>
    %swap3A_87 = vector.shape_cast %swap3A_86 : vector<1x128x768xbf16> to vector<128x768xbf16>
    %swap3A_88 = vector.shape_cast %convert_element_type3A_82 : vector<128x768xbf16> to vector<1x128x768xbf16>
    tpu.vector_store %arg3[%swap3A_83, %swap3A_84, %swap3A_85], %swap3A_88 {strides = array<i32>} : memref<14x128x768xbf16, #tpu.memory_space<vmem>>, vector<1x128x768xbf16>,
    %add3A_89 = arith.addf %add3A_65, %tanh3A_81 : vector<128x768xf32>
    %get3A_90 = arith.constant 0 : index
    %get3A_91 = arith.constant 0 : index
    %get3A_92 = arith.constant 0 : index
    %get3A_93 = arith.constant 4 : index
    %get3A_94 = arith.constant 0 : index
    %get3A_95 = arith.constant 0 : index
    %get3A_96 = vector.load %arg1[%get3A_90, %get3A_91, %get3A_92, %get3A_93, %get3A_94, %get3A_95] : memref<3x1x16x14x16x128xf32, #tpu.memory_space<vmem>>, vector<3x1x16x1x16x128xf32>
    %get3A_97 = vector.shape_cast %get3A_96 : vector<3x1x16x1x16x128xf32> to vector<3x16x16x128xf32>
    %reshape3A_98 = vector.shape_cast %get3A_97 : vector<3x16x16x128xf32> to vector<768x128xf32>
    %convert_element_type3A_99 = arith.truncf %reshape3A_98 : vector<768x128xf32> to vector<768x128xbf16>
    %get3A_100 = arith.constant 0 : index
    %get3A_101 = arith.constant 0 : index
    %get3A_102 = vector.load %arg2[%get3A_100, %get3A_101] : memref<768x768xbf16, #tpu.memory_space<vmem>>, vector<768x768xbf16>
    %dot_general3A_103 = arith.constant dense<0.000000e+00> : vector<128x768xf32>
    %dot_general3A_104 = tpu.matmul %convert_element_type3A_99, %get3A_102, %dot_general3A_103 {dimension_numbers = #tpu.dot_dimension_numbers<[0], [0], [1], [1], [0, 1, 1, 1], [], []>, transpose_lhs_hint = false} : vector<768x128xbf16>, vector<768x768xbf16>, vector<128x768xf32> -> vector<128x768xf32>
    %tanh3A_105 = math.tanh %dot_general3A_104 : vector<128x768xf32>
    %convert_element_type3A_106 = arith.truncf %tanh3A_105 : vector<128x768xf32> to vector<128x768xbf16>
    %swap3A_107 = arith.constant 4 : index
    %swap3A_108 = arith.constant 0 : index
    %swap3A_109 = arith.constant 0 : index
    %swap3A_110 = vector.load %arg3[%swap3A_107, %swap3A_108, %swap3A_109] : memref<14x128x768xbf16, #tpu.memory_space<vmem>>, vector<1x128x768xbf16>
    %swap3A_111 = vector.shape_cast %swap3A_110 : vector<1x128x768xbf16> to vector<128x768xbf16>
    %swap3A_112 = vector.shape_cast %convert_element_type3A_106 : vector<128x768xbf16> to vector<1x128x768xbf16>
    tpu.vector_store %arg3[%swap3A_107, %swap3A_108, %swap3A_109], %swap3A_112 {strides = array<i32>} : memref<14x128x768xbf16, #tpu.memory_space<vmem>>, vector<1x128x768xbf16>,
    %add3A_113 = arith.addf %add3A_89, %tanh3A_105 : vector<128x768xf32>
    %get3A_114 = arith.constant 0 : index
    %get3A_115 = arith.constant 0 : index
    %get3A_116 = arith.constant 0 : index
    %get3A_117 = arith.constant 5 : index
    %get3A_118 = arith.constant 0 : index
    %get3A_119 = arith.constant 0 : index
    %get3A_120 = vector.load %arg1[%get3A_114, %get3A_115, %get3A_116, %get3A_117, %get3A_118, %get3A_119] : memref<3x1x16x14x16x128xf32, #tpu.memory_space<vmem>>, vector<3x1x16x1x16x128xf32>
    %get3A_121 = vector.shape_cast %get3A_120 : vector<3x1x16x1x16x128xf32> to vector<3x16x16x128xf32>
    %reshape3A_122 = vector.shape_cast %get3A_121 : vector<3x16x16x128xf32> to vector<768x128xf32>
    %convert_element_type3A_123 = arith.truncf %reshape3A_122 : vector<768x128xf32> to vector<768x128xbf16>
    %get3A_124 = arith.constant 0 : index
    %get3A_125 = arith.constant 0 : index
    %get3A_126 = vector.load %arg2[%get3A_124, %get3A_125] : memref<768x768xbf16, #tpu.memory_space<vmem>>, vector<768x768xbf16>
    %dot_general3A_127 = arith.constant dense<0.000000e+00> : vector<128x768xf32>
    %dot_general3A_128 = tpu.matmul %convert_element_type3A_123, %get3A_126, %dot_general3A_127 {dimension_numbers = #tpu.dot_dimension_numbers<[0], [0], [1], [1], [0, 1, 1, 1], [], []>, transpose_lhs_hint = false} : vector<768x128xbf16>, vector<768x768xbf16>, vector<128x768xf32> -> vector<128x768xf32>
    %tanh3A_129 = math.tanh %dot_general3A_128 : vector<128x768xf32>
    %convert_element_type3A_130 = arith.truncf %tanh3A_129 : vector<128x768xf32> to vector<128x768xbf16>
    %swap3A_131 = arith.constant 5 : index
    %swap3A_132 = arith.constant 0 : index
    %swap3A_133 = arith.constant 0 : index
    %swap3A_134 = vector.load %arg3[%swap3A_131, %swap3A_132, %swap3A_133] : memref<14x128x768xbf16, #tpu.memory_space<vmem>>, vector<1x128x768xbf16>
    %swap3A_135 = vector.shape_cast %swap3A_134 : vector<1x128x768xbf16> to vector<128x768xbf16>
    %swap3A_136 = vector.shape_cast %convert_element_type3A_130 : vector<128x768xbf16> to vector<1x128x768xbf16>
    tpu.vector_store %arg3[%swap3A_131, %swap3A_132, %swap3A_133], %swap3A_136 {strides = array<i32>} : memref<14x128x768xbf16, #tpu.memory_space<vmem>>, vector<1x128x768xbf16>,
    %add3A_137 = arith.addf %add3A_113, %tanh3A_129 : vector<128x768xf32>
    %get3A_138 = arith.constant 0 : index
    %get3A_139 = arith.constant 0 : index
    %get3A_140 = arith.constant 0 : index
    %get3A_141 = arith.constant 6 : index
    %get3A_142 = arith.constant 0 : index
    %get3A_143 = arith.constant 0 : index
    %get3A_144 = vector.load %arg1[%get3A_138, %get3A_139, %get3A_140, %get3A_141, %get3A_142, %get3A_143] : memref<3x1x16x14x16x128xf32, #tpu.memory_space<vmem>>, vector<3x1x16x1x16x128xf32>
    %get3A_145 = vector.shape_cast %get3A_144 : vector<3x1x16x1x16x128xf32> to vector<3x16x16x128xf32>
    %reshape3A_146 = vector.shape_cast %get3A_145 : vector<3x16x16x128xf32> to vector<768x128xf32>
    %convert_element_type3A_147 = arith.truncf %reshape3A_146 : vector<768x128xf32> to vector<768x128xbf16>
    %get3A_148 = arith.constant 0 : index
    %get3A_149 = arith.constant 0 : index
    %get3A_150 = vector.load %arg2[%get3A_148, %get3A_149] : memref<768x768xbf16, #tpu.memory_space<vmem>>, vector<768x768xbf16>
    %dot_general3A_151 = arith.constant dense<0.000000e+00> : vector<128x768xf32>
    %dot_general3A_152 = tpu.matmul %convert_element_type3A_147, %get3A_150, %dot_general3A_151 {dimension_numbers = #tpu.dot_dimension_numbers<[0], [0], [1], [1], [0, 1, 1, 1], [], []>, transpose_lhs_hint = false} : vector<768x128xbf16>, vector<768x768xbf16>, vector<128x768xf32> -> vector<128x768xf32>
    %tanh3A_153 = math.tanh %dot_general3A_152 : vector<128x768xf32>
    %convert_element_type3A_154 = arith.truncf %tanh3A_153 : vector<128x768xf32> to vector<128x768xbf16>
    %swap3A_155 = arith.constant 6 : index
    %swap3A_156 = arith.constant 0 : index
    %swap3A_157 = arith.constant 0 : index
    %swap3A_158 = vector.load %arg3[%swap3A_155, %swap3A_156, %swap3A_157] : memref<14x128x768xbf16, #tpu.memory_space<vmem>>, vector<1x128x768xbf16>
    %swap3A_159 = vector.shape_cast %swap3A_158 : vector<1x128x768xbf16> to vector<128x768xbf16>
    %swap3A_160 = vector.shape_cast %convert_element_type3A_154 : vector<128x768xbf16> to vector<1x128x768xbf16>
    tpu.vector_store %arg3[%swap3A_155, %swap3A_156, %swap3A_157], %swap3A_160 {strides = array<i32>} : memref<14x128x768xbf16, #tpu.memory_space<vmem>>, vector<1x128x768xbf16>,
    %add3A_161 = arith.addf %add3A_137, %tanh3A_153 : vector<128x768xf32>
    %get3A_162 = arith.constant 0 : index
    %get3A_163 = arith.constant 0 : index
    %get3A_164 = arith.constant 0 : index
    %get3A_165 = arith.constant 7 : index
    %get3A_166 = arith.constant 0 : index
    %get3A_167 = arith.constant 0 : index
    %get3A_168 = vector.load %arg1[%get3A_162, %get3A_163, %get3A_164, %get3A_165, %get3A_166, %get3A_167] : memref<3x1x16x14x16x128xf32, #tpu.memory_space<vmem>>, vector<3x1x16x1x16x128xf32>
    %get3A_169 = vector.shape_cast %get3A_168 : vector<3x1x16x1x16x128xf32> to vector<3x16x16x128xf32>
    %reshape3A_170 = vector.shape_cast %get3A_169 : vector<3x16x16x128xf32> to vector<768x128xf32>
    %convert_element_type3A_171 = arith.truncf %reshape3A_170 : vector<768x128xf32> to vector<768x128xbf16>
    %get3A_172 = arith.constant 0 : index
    %get3A_173 = arith.constant 0 : index
    %get3A_174 = vector.load %arg2[%get3A_172, %get3A_173] : memref<768x768xbf16, #tpu.memory_space<vmem>>, vector<768x768xbf16>
    %dot_general3A_175 = arith.constant dense<0.000000e+00> : vector<128x768xf32>
    %dot_general3A_176 = tpu.matmul %convert_element_type3A_171, %get3A_174, %dot_general3A_175 {dimension_numbers = #tpu.dot_dimension_numbers<[0], [0], [1], [1], [0, 1, 1, 1], [], []>, transpose_lhs_hint = false} : vector<768x128xbf16>, vector<768x768xbf16>, vector<128x768xf32> -> vector<128x768xf32>
    %tanh3A_177 = math.tanh %dot_general3A_176 : vector<128x768xf32>
    %convert_element_type3A_178 = arith.truncf %tanh3A_177 : vector<128x768xf32> to vector<128x768xbf16>
    %swap3A_179 = arith.constant 7 : index
    %swap3A_180 = arith.constant 0 : index
    %swap3A_181 = arith.constant 0 : index
    %swap3A_182 = vector.load %arg3[%swap3A_179, %swap3A_180, %swap3A_181] : memref<14x128x768xbf16, #tpu.memory_space<vmem>>, vector<1x128x768xbf16>
    %swap3A_183 = vector.shape_cast %swap3A_182 : vector<1x128x768xbf16> to vector<128x768xbf16>
    %swap3A_184 = vector.shape_cast %convert_element_type3A_178 : vector<128x768xbf16> to vector<1x128x768xbf16>
    tpu.vector_store %arg3[%swap3A_179, %swap3A_180, %swap3A_181], %swap3A_184 {strides = array<i32>} : memref<14x128x768xbf16, #tpu.memory_space<vmem>>, vector<1x128x768xbf16>,
    %add3A_185 = arith.addf %add3A_161, %tanh3A_177 : vector<128x768xf32>
    %get3A_186 = arith.constant 0 : index
    %get3A_187 = arith.constant 0 : index
    %get3A_188 = arith.constant 0 : index
    %get3A_189 = arith.constant 8 : index
    %get3A_190 = arith.constant 0 : index
    %get3A_191 = arith.constant 0 : index
    %get3A_192 = vector.load %arg1[%get3A_186, %get3A_187, %get3A_188, %get3A_189, %get3A_190, %get3A_191] : memref<3x1x16x14x16x128xf32, #tpu.memory_space<vmem>>, vector<3x1x16x1x16x128xf32>
    %get3A_193 = vector.shape_cast %get3A_192 : vector<3x1x16x1x16x128xf32> to vector<3x16x16x128xf32>
    %reshape3A_194 = vector.shape_cast %get3A_193 : vector<3x16x16x128xf32> to vector<768x128xf32>
    %convert_element_type3A_195 = arith.truncf %reshape3A_194 : vector<768x128xf32> to vector<768x128xbf16>
    %get3A_196 = arith.constant 0 : index
    %get3A_197 = arith.constant 0 : index
    %get3A_198 = vector.load %arg2[%get3A_196, %get3A_197] : memref<768x768xbf16, #tpu.memory_space<vmem>>, vector<768x768xbf16>
    %dot_general3A_199 = arith.constant dense<0.000000e+00> : vector<128x768xf32>
    %dot_general3A_200 = tpu.matmul %convert_element_type3A_195, %get3A_198, %dot_general3A_199 {dimension_numbers = #tpu.dot_dimension_numbers<[0], [0], [1], [1], [0, 1, 1, 1], [], []>, transpose_lhs_hint = false} : vector<768x128xbf16>, vector<768x768xbf16>, vector<128x768xf32> -> vector<128x768xf32>
    %tanh3A_201 = math.tanh %dot_general3A_200 : vector<128x768xf32>
    %convert_element_type3A_202 = arith.truncf %tanh3A_201 : vector<128x768xf32> to vector<128x768xbf16>
    %swap3A_203 = arith.constant 8 : index
    %swap3A_204 = arith.constant 0 : index
    %swap3A_205 = arith.constant 0 : index
    %swap3A_206 = vector.load %arg3[%swap3A_203, %swap3A_204, %swap3A_205] : memref<14x128x768xbf16, #tpu.memory_space<vmem>>, vector<1x128x768xbf16>
    %swap3A_207 = vector.shape_cast %swap3A_206 : vector<1x128x768xbf16> to vector<128x768xbf16>
    %swap3A_208 = vector.shape_cast %convert_element_type3A_202 : vector<128x768xbf16> to vector<1x128x768xbf16>
    tpu.vector_store %arg3[%swap3A_203, %swap3A_204, %swap3A_205], %swap3A_208 {strides = array<i32>} : memref<14x128x768xbf16, #tpu.memory_space<vmem>>, vector<1x128x768xbf16>,
    %add3A_209 = arith.addf %add3A_185, %tanh3A_201 : vector<128x768xf32>
    %get3A_210 = arith.constant 0 : index
    %get3A_211 = arith.constant 0 : index
    %get3A_212 = arith.constant 0 : index
    %get3A_213 = arith.constant 9 : index
    %get3A_214 = arith.constant 0 : index
    %get3A_215 = arith.constant 0 : index
    %get3A_216 = vector.load %arg1[%get3A_210, %get3A_211, %get3A_212, %get3A_213, %get3A_214, %get3A_215] : memref<3x1x16x14x16x128xf32, #tpu.memory_space<vmem>>, vector<3x1x16x1x16x128xf32>
    %get3A_217 = vector.shape_cast %get3A_216 : vector<3x1x16x1x16x128xf32> to vector<3x16x16x128xf32>
    %reshape3A_218 = vector.shape_cast %get3A_217 : vector<3x16x16x128xf32> to vector<768x128xf32>
    %convert_element_type3A_219 = arith.truncf %reshape3A_218 : vector<768x128xf32> to vector<768x128xbf16>
    %get3A_220 = arith.constant 0 : index
    %get3A_221 = arith.constant 0 : index
    %get3A_222 = vector.load %arg2[%get3A_220, %get3A_221] : memref<768x768xbf16, #tpu.memory_space<vmem>>, vector<768x768xbf16>
    %dot_general3A_223 = arith.constant dense<0.000000e+00> : vector<128x768xf32>
    %dot_general3A_224 = tpu.matmul %convert_element_type3A_219, %get3A_222, %dot_general3A_223 {dimension_numbers = #tpu.dot_dimension_numbers<[0], [0], [1], [1], [0, 1, 1, 1], [], []>, transpose_lhs_hint = false} : vector<768x128xbf16>, vector<768x768xbf16>, vector<128x768xf32> -> vector<128x768xf32>
    %tanh3A_225 = math.tanh %dot_general3A_224 : vector<128x768xf32>
    %convert_element_type3A_226 = arith.truncf %tanh3A_225 : vector<128x768xf32> to vector<128x768xbf16>
    %swap3A_227 = arith.constant 9 : index
    %swap3A_228 = arith.constant 0 : index
    %swap3A_229 = arith.constant 0 : index
    %swap3A_230 = vector.load %arg3[%swap3A_227, %swap3A_228, %swap3A_229] : memref<14x128x768xbf16, #tpu.memory_space<vmem>>, vector<1x128x768xbf16>
    %swap3A_231 = vector.shape_cast %swap3A_230 : vector<1x128x768xbf16> to vector<128x768xbf16>
    %swap3A_232 = vector.shape_cast %convert_element_type3A_226 : vector<128x768xbf16> to vector<1x128x768xbf16>
    tpu.vector_store %arg3[%swap3A_227, %swap3A_228, %swap3A_229], %swap3A_232 {strides = array<i32>} : memref<14x128x768xbf16, #tpu.memory_space<vmem>>, vector<1x128x768xbf16>,
    %add3A_233 = arith.addf %add3A_209, %tanh3A_225 : vector<128x768xf32>
    %get3A_234 = arith.constant 0 : index
    %get3A_235 = arith.constant 0 : index
    %get3A_236 = arith.constant 0 : index
    %get3A_237 = arith.constant 10 : index
    %get3A_238 = arith.constant 0 : index
    %get3A_239 = arith.constant 0 : index
    %get3A_240 = vector.load %arg1[%get3A_234, %get3A_235, %get3A_236, %get3A_237, %get3A_238, %get3A_239] : memref<3x1x16x14x16x128xf32, #tpu.memory_space<vmem>>, vector<3x1x16x1x16x128xf32>
    %get3A_241 = vector.shape_cast %get3A_240 : vector<3x1x16x1x16x128xf32> to vector<3x16x16x128xf32>
    %reshape3A_242 = vector.shape_cast %get3A_241 : vector<3x16x16x128xf32> to vector<768x128xf32>
    %convert_element_type3A_243 = arith.truncf %reshape3A_242 : vector<768x128xf32> to vector<768x128xbf16>
    %get3A_244 = arith.constant 0 : index
    %get3A_245 = arith.constant 0 : index
    %get3A_246 = vector.load %arg2[%get3A_244, %get3A_245] : memref<768x768xbf16, #tpu.memory_space<vmem>>, vector<768x768xbf16>
    %dot_general3A_247 = arith.constant dense<0.000000e+00> : vector<128x768xf32>
    %dot_general3A_248 = tpu.matmul %convert_element_type3A_243, %get3A_246, %dot_general3A_247 {dimension_numbers = #tpu.dot_dimension_numbers<[0], [0], [1], [1], [0, 1, 1, 1], [], []>, transpose_lhs_hint = false} : vector<768x128xbf16>, vector<768x768xbf16>, vector<128x768xf32> -> vector<128x768xf32>
    %tanh3A_249 = math.tanh %dot_general3A_248 : vector<128x768xf32>
    %convert_element_type3A_250 = arith.truncf %tanh3A_249 : vector<128x768xf32> to vector<128x768xbf16>
    %swap3A_251 = arith.constant 10 : index
    %swap3A_252 = arith.constant 0 : index
    %swap3A_253 = arith.constant 0 : index
    %swap3A_254 = vector.load %arg3[%swap3A_251, %swap3A_252, %swap3A_253] : memref<14x128x768xbf16, #tpu.memory_space<vmem>>, vector<1x128x768xbf16>
    %swap3A_255 = vector.shape_cast %swap3A_254 : vector<1x128x768xbf16> to vector<128x768xbf16>
    %swap3A_256 = vector.shape_cast %convert_element_type3A_250 : vector<128x768xbf16> to vector<1x128x768xbf16>
    tpu.vector_store %arg3[%swap3A_251, %swap3A_252, %swap3A_253], %swap3A_256 {strides = array<i32>} : memref<14x128x768xbf16, #tpu.memory_space<vmem>>, vector<1x128x768xbf16>,
    %add3A_257 = arith.addf %add3A_233, %tanh3A_249 : vector<128x768xf32>
    %get3A_258 = arith.constant 0 : index
    %get3A_259 = arith.constant 0 : index
    %get3A_260 = arith.constant 0 : index
    %get3A_261 = arith.constant 11 : index
    %get3A_262 = arith.constant 0 : index
    %get3A_263 = arith.constant 0 : index
    %get3A_264 = vector.load %arg1[%get3A_258, %get3A_259, %get3A_260, %get3A_261, %get3A_262, %get3A_263] : memref<3x1x16x14x16x128xf32, #tpu.memory_space<vmem>>, vector<3x1x16x1x16x128xf32>
    %get3A_265 = vector.shape_cast %get3A_264 : vector<3x1x16x1x16x128xf32> to vector<3x16x16x128xf32>
    %reshape3A_266 = vector.shape_cast %get3A_265 : vector<3x16x16x128xf32> to vector<768x128xf32>
    %convert_element_type3A_267 = arith.truncf %reshape3A_266 : vector<768x128xf32> to vector<768x128xbf16>
    %get3A_268 = arith.constant 0 : index
    %get3A_269 = arith.constant 0 : index
    %get3A_270 = vector.load %arg2[%get3A_268, %get3A_269] : memref<768x768xbf16, #tpu.memory_space<vmem>>, vector<768x768xbf16>
    %dot_general3A_271 = arith.constant dense<0.000000e+00> : vector<128x768xf32>
    %dot_general3A_272 = tpu.matmul %convert_element_type3A_267, %get3A_270, %dot_general3A_271 {dimension_numbers = #tpu.dot_dimension_numbers<[0], [0], [1], [1], [0, 1, 1, 1], [], []>, transpose_lhs_hint = false} : vector<768x128xbf16>, vector<768x768xbf16>, vector<128x768xf32> -> vector<128x768xf32>
    %tanh3A_273 = math.tanh %dot_general3A_272 : vector<128x768xf32>
    %convert_element_type3A_274 = arith.truncf %tanh3A_273 : vector<128x768xf32> to vector<128x768xbf16>
    %swap3A_275 = arith.constant 11 : index
    %swap3A_276 = arith.constant 0 : index
    %swap3A_277 = arith.constant 0 : index
    %swap3A_278 = vector.load %arg3[%swap3A_275, %swap3A_276, %swap3A_277] : memref<14x128x768xbf16, #tpu.memory_space<vmem>>, vector<1x128x768xbf16>
    %swap3A_279 = vector.shape_cast %swap3A_278 : vector<1x128x768xbf16> to vector<128x768xbf16>
    %swap3A_280 = vector.shape_cast %convert_element_type3A_274 : vector<128x768xbf16> to vector<1x128x768xbf16>
    tpu.vector_store %arg3[%swap3A_275, %swap3A_276, %swap3A_277], %swap3A_280 {strides = array<i32>} : memref<14x128x768xbf16, #tpu.memory_space<vmem>>, vector<1x128x768xbf16>,
    %add3A_281 = arith.addf %add3A_257, %tanh3A_273 : vector<128x768xf32>
    %get3A_282 = arith.constant 0 : index
    %get3A_283 = arith.constant 0 : index
    %get3A_284 = arith.constant 0 : index
    %get3A_285 = arith.constant 12 : index
    %get3A_286 = arith.constant 0 : index
    %get3A_287 = arith.constant 0 : index
    %get3A_288 = vector.load %arg1[%get3A_282, %get3A_283, %get3A_284, %get3A_285, %get3A_286, %get3A_287] : memref<3x1x16x14x16x128xf32, #tpu.memory_space<vmem>>, vector<3x1x16x1x16x128xf32>
    %get3A_289 = vector.shape_cast %get3A_288 : vector<3x1x16x1x16x128xf32> to vector<3x16x16x128xf32>
    %reshape3A_290 = vector.shape_cast %get3A_289 : vector<3x16x16x128xf32> to vector<768x128xf32>
    %convert_element_type3A_291 = arith.truncf %reshape3A_290 : vector<768x128xf32> to vector<768x128xbf16>
    %get3A_292 = arith.constant 0 : index
    %get3A_293 = arith.constant 0 : index
    %get3A_294 = vector.load %arg2[%get3A_292, %get3A_293] : memref<768x768xbf16, #tpu.memory_space<vmem>>, vector<768x768xbf16>
    %dot_general3A_295 = arith.constant dense<0.000000e+00> : vector<128x768xf32>
    %dot_general3A_296 = tpu.matmul %convert_element_type3A_291, %get3A_294, %dot_general3A_295 {dimension_numbers = #tpu.dot_dimension_numbers<[0], [0], [1], [1], [0, 1, 1, 1], [], []>, transpose_lhs_hint = false} : vector<768x128xbf16>, vector<768x768xbf16>, vector<128x768xf32> -> vector<128x768xf32>
    %tanh3A_297 = math.tanh %dot_general3A_296 : vector<128x768xf32>
    %convert_element_type3A_298 = arith.truncf %tanh3A_297 : vector<128x768xf32> to vector<128x768xbf16>
    %swap3A_299 = arith.constant 12 : index
    %swap3A_300 = arith.constant 0 : index
    %swap3A_301 = arith.constant 0 : index
    %swap3A_302 = vector.load %arg3[%swap3A_299, %swap3A_300, %swap3A_301] : memref<14x128x768xbf16, #tpu.memory_space<vmem>>, vector<1x128x768xbf16>
    %swap3A_303 = vector.shape_cast %swap3A_302 : vector<1x128x768xbf16> to vector<128x768xbf16>
    %swap3A_304 = vector.shape_cast %convert_element_type3A_298 : vector<128x768xbf16> to vector<1x128x768xbf16>
    tpu.vector_store %arg3[%swap3A_299, %swap3A_300, %swap3A_301], %swap3A_304 {strides = array<i32>} : memref<14x128x768xbf16, #tpu.memory_space<vmem>>, vector<1x128x768xbf16>,
    %add3A_305 = arith.addf %add3A_281, %tanh3A_297 : vector<128x768xf32>
    %get3A_306 = arith.constant 0 : index
    %get3A_307 = arith.constant 0 : index
    %get3A_308 = arith.constant 0 : index
    %get3A_309 = arith.constant 13 : index
    %get3A_310 = arith.constant 0 : index
    %get3A_311 = arith.constant 0 : index
    %get3A_312 = vector.load %arg1[%get3A_306, %get3A_307, %get3A_308, %get3A_309, %get3A_310, %get3A_311] : memref<3x1x16x14x16x128xf32, #tpu.memory_space<vmem>>, vector<3x1x16x1x16x128xf32>
    %get3A_313 = vector.shape_cast %get3A_312 : vector<3x1x16x1x16x128xf32> to vector<3x16x16x128xf32>
    %reshape3A_314 = vector.shape_cast %get3A_313 : vector<3x16x16x128xf32> to vector<768x128xf32>
    %convert_element_type3A_315 = arith.truncf %reshape3A_314 : vector<768x128xf32> to vector<768x128xbf16>
    %get3A_316 = arith.constant 0 : index
    %get3A_317 = arith.constant 0 : index
    %get3A_318 = vector.load %arg2[%get3A_316, %get3A_317] : memref<768x768xbf16, #tpu.memory_space<vmem>>, vector<768x768xbf16>
    %dot_general3A_319 = arith.constant dense<0.000000e+00> : vector<128x768xf32>
    %dot_general3A_320 = tpu.matmul %convert_element_type3A_315, %get3A_318, %dot_general3A_319 {dimension_numbers = #tpu.dot_dimension_numbers<[0], [0], [1], [1], [0, 1, 1, 1], [], []>, transpose_lhs_hint = false} : vector<768x128xbf16>, vector<768x768xbf16>, vector<128x768xf32> -> vector<128x768xf32>
    %tanh3A_321 = math.tanh %dot_general3A_320 : vector<128x768xf32>
    %convert_element_type3A_322 = arith.truncf %tanh3A_321 : vector<128x768xf32> to vector<128x768xbf16>
    %swap3A_323 = arith.constant 13 : index
    %swap3A_324 = arith.constant 0 : index
    %swap3A_325 = arith.constant 0 : index
    %swap3A_326 = vector.load %arg3[%swap3A_323, %swap3A_324, %swap3A_325] : memref<14x128x768xbf16, #tpu.memory_space<vmem>>, vector<1x128x768xbf16>
    %swap3A_327 = vector.shape_cast %swap3A_326 : vector<1x128x768xbf16> to vector<128x768xbf16>
    %swap3A_328 = vector.shape_cast %convert_element_type3A_322 : vector<128x768xbf16> to vector<1x128x768xbf16>
    tpu.vector_store %arg3[%swap3A_323, %swap3A_324, %swap3A_325], %swap3A_328 {strides = array<i32>} : memref<14x128x768xbf16, #tpu.memory_space<vmem>>, vector<1x128x768xbf16>,
    %add3A_329 = arith.addf %add3A_305, %tanh3A_321 : vector<128x768xf32>
    %eq3A = arith.constant 0 : i32
    %eq3A_330 = arith.cmpi eq, %arg0, %eq3A : i32
    %convert_element_type3A_331 = arith.extui %eq3A_330 : i1 to i32
    %cond3A = arith.constant 0 : i32
    %cond3A_332 = arith.cmpi ne, %convert_element_type3A_331, %cond3A : i32
    scf.if %cond3A_332 {
      %swap3A_337 = arith.constant 0 : index
      %swap3A_338 = arith.constant 0 : index
      %swap3A_339 = vector.load %arg4[%swap3A_337, %swap3A_338] : memref<128x768xf32, #tpu.memory_space<vmem>>, vector<128x768xf32>
      tpu.vector_store %arg4[%swap3A_337, %swap3A_338], %add3A_329 {strides = array<i32>} : memref<128x768xf32, #tpu.memory_space<vmem>>, vector<128x768xf32>,
    } else {
    }
    %gt3A = arith.constant 0 : i32
    %gt3A_333 = arith.cmpi sgt, %arg0, %gt3A : i32
    %convert_element_type3A_334 = arith.extui %gt3A_333 : i1 to i32
    %cond3A_335 = arith.constant 0 : i32
    %cond3A_336 = arith.cmpi ne, %convert_element_type3A_334, %cond3A_335 : i32
    scf.if %cond3A_336 {
      %get3A_337 = arith.constant 0 : index
      %get3A_338 = arith.constant 0 : index
      %get3A_339 = vector.load %arg4[%get3A_337, %get3A_338] : memref<128x768xf32, #tpu.memory_space<vmem>>, vector<128x768xf32>
      %add3A_340 = arith.addf %get3A_339, %add3A_329 : vector<128x768xf32>
      %swap3A_341 = arith.constant 0 : index
      %swap3A_342 = arith.constant 0 : index
      %swap3A_343 = vector.load %arg4[%swap3A_341, %swap3A_342] : memref<128x768xf32, #tpu.memory_space<vmem>>, vector<128x768xf32>
      tpu.vector_store %arg4[%swap3A_341, %swap3A_342], %add3A_340 {strides = array<i32>} : memref<128x768xf32, #tpu.memory_space<vmem>>, vector<128x768xf32>,
    } else {
    }
    return
  }
  func.func @transform_0(%arg0: i32) -> (i32, i32, i32, i32, i32, i32) {
    %c0_i32 = arith.constant 0 : i32
    %c0_i32_0 = arith.constant 0 : i32
    %c0_i32_1 = arith.constant 0 : i32
    %c0_i32_2 = arith.constant 0 : i32
    %c0_i32_3 = arith.constant 0 : i32
    %c0_i32_4 = arith.constant 0 : i32
    return %c0_i32, %arg0, %c0_i32_0, %c0_i32_1, %c0_i32_2, %c0_i32_3 : i32, i32, i32, i32, i32, i32
  }
  func.func @transform_1(%arg0: i32) -> (i32, i32) {
    %c0_i32 = arith.constant 0 : i32
    %c0_i32_0 = arith.constant 0 : i32
    %c0_i32_1 = arith.constant 0 : i32
    return %c0_i32, %c0_i32_0 : i32, i32
  }
  func.func @transform_2(%arg0: i32) -> (i32, i32, i32) {
    %c0_i32 = arith.constant 0 : i32
    %c0_i32_0 = arith.constant 0 : i32
    %c0_i32_1 = arith.constant 0 : i32
    return %arg0, %c0_i32, %c0_i32_0 : i32, i32, i32
  }
  func.func @transform_3(%arg0: i32) -> (i32, i32) {
    %c0_i32 = arith.constant 0 : i32
    %c0_i32_0 = arith.constant 0 : i32
    %c0_i32_1 = arith.constant 0 : i32
    return %c0_i32, %c0_i32_0 : i32, i32
  }
}

module attributes {stable_mosaic.version = 14 : i64} {
  func.func @_distill_kernel(%arg0: i32, %arg1: memref<896x768xbf16, #tpu.memory_space<vmem>>, %arg2: memref<896x768xf32, #tpu.memory_space<vmem>>, %arg3: memref<896x1xf32, #tpu.memory_space<vmem>>, %arg4: memref<896x1xf32, #tpu.memory_space<vmem>>, %arg5: memref<896x1xf32, #tpu.memory_space<vmem>>) attributes {dimension_semantics = [#tpu.dimension_semantics<arbitrary>], iteration_bounds = array<i64: 7>, scalar_prefetch = 0 : i64, scratch_operands = 0 : i64, tpu.core_type = #tpu.core_type<tc>, window_params = [{transform_indices = @transform_0, window_bounds = array<i64: 896, 768>}, {transform_indices = @transform_1, window_bounds = array<i64: 896, 768>}, {transform_indices = @transform_2, window_bounds = array<i64: 896, 1>}, {transform_indices = @transform_3, window_bounds = array<i64: 896, 1>}, {transform_indices = @transform_4, window_bounds = array<i64: 896, 1>}]} {
    %get3A = arith.constant 0 : index
    %get3A_0 = arith.constant 0 : index
    %get3A_1 = vector.load %arg3[%get3A, %get3A_0] : memref<896x1xf32, #tpu.memory_space<vmem>>, vector<896x1xf32>
    %gt3A = arith.constant 5.000000e-01 : f32
    %gt3A_2 = vector.broadcast %gt3A : f32 to vector<896x1xf32>
    %gt3A_3 = arith.cmpf ogt, %get3A_1, %gt3A_2 : vector<896x1xf32>
    %convert_element_type3A = arith.extui %gt3A_3 : vector<896x1xi1> to vector<896x1xi32>
    %convert_element_type3A_4 = arith.sitofp %convert_element_type3A : vector<896x1xi32> to vector<896x1xf32>
    %swap3A = arith.constant 0 : index
    %swap3A_5 = arith.constant 0 : index
    %swap3A_6 = vector.load %arg5[%swap3A, %swap3A_5] : memref<896x1xf32, #tpu.memory_space<vmem>>, vector<896x1xf32>
    tpu.vector_store %arg5[%swap3A, %swap3A_5], %convert_element_type3A_4 {strides = array<i32>} : memref<896x1xf32, #tpu.memory_space<vmem>>, vector<896x1xf32>,
    %get3A_7 = arith.constant 0 : index
    %get3A_8 = arith.constant 0 : index
    %get3A_9 = vector.load %arg1[%get3A_7, %get3A_8] : memref<896x768xbf16, #tpu.memory_space<vmem>>, vector<896x768xbf16>
    %convert_element_type3A_10 = arith.extf %get3A_9 : vector<896x768xbf16> to vector<896x768xf32>
    %get3A_11 = arith.constant 0 : index
    %get3A_12 = arith.constant 0 : index
    %get3A_13 = vector.load %arg2[%get3A_11, %get3A_12] : memref<896x768xf32, #tpu.memory_space<vmem>>, vector<896x768xf32>
    %reduce_max3A = arith.constant dense<0xFF800000> : vector<896xf32>
    %reduce_max3A_14 = vector.multi_reduction <maximumf>, %convert_element_type3A_10, %reduce_max3A [1] : vector<896x768xf32> to vector<896xf32>
    %broadcast_in_dim3A = vector.shape_cast %reduce_max3A_14 : vector<896xf32> to vector<896x1xf32>
    %sub3A = vector.broadcast %broadcast_in_dim3A : vector<896x1xf32> to vector<896x768xf32>
    %sub3A_15 = arith.subf %convert_element_type3A_10, %sub3A : vector<896x768xf32>
    %exp3A = math.exp %sub3A_15 : vector<896x768xf32>
    %reduce_sum3A = arith.constant dense<0.000000e+00> : vector<896xf32>
    %reduce_sum3A_16 = vector.multi_reduction <add>, %exp3A, %reduce_sum3A [1] : vector<896x768xf32> to vector<896xf32>
    %broadcast_in_dim3A_17 = vector.shape_cast %reduce_sum3A_16 : vector<896xf32> to vector<896x1xf32>
    %log3A = math.log %broadcast_in_dim3A_17 : vector<896x1xf32>
    %add3A = arith.addf %broadcast_in_dim3A, %log3A : vector<896x1xf32>
    %reduce_max3A_18 = arith.constant dense<0xFF800000> : vector<896xf32>
    %reduce_max3A_19 = vector.multi_reduction <maximumf>, %get3A_13, %reduce_max3A_18 [1] : vector<896x768xf32> to vector<896xf32>
    %broadcast_in_dim3A_20 = vector.shape_cast %reduce_max3A_19 : vector<896xf32> to vector<896x1xf32>
    %sub3A_21 = vector.broadcast %broadcast_in_dim3A_20 : vector<896x1xf32> to vector<896x768xf32>
    %sub3A_22 = arith.subf %get3A_13, %sub3A_21 : vector<896x768xf32>
    %exp3A_23 = math.exp %sub3A_22 : vector<896x768xf32>
    %reduce_sum3A_24 = arith.constant dense<0.000000e+00> : vector<896xf32>
    %reduce_sum3A_25 = vector.multi_reduction <add>, %exp3A_23, %reduce_sum3A_24 [1] : vector<896x768xf32> to vector<896xf32>
    %broadcast_in_dim3A_26 = vector.shape_cast %reduce_sum3A_25 : vector<896xf32> to vector<896x1xf32>
    %log3A_27 = math.log %broadcast_in_dim3A_26 : vector<896x1xf32>
    %add3A_28 = arith.addf %broadcast_in_dim3A_20, %log3A_27 : vector<896x1xf32>
    %div3A = vector.broadcast %broadcast_in_dim3A_17 : vector<896x1xf32> to vector<896x768xf32>
    %div3A_29 = arith.divf %exp3A, %div3A : vector<896x768xf32>
    %sub3A_30 = arith.subf %convert_element_type3A_10, %get3A_13 : vector<896x768xf32>
    %mul3A = arith.mulf %div3A_29, %sub3A_30 : vector<896x768xf32>
    %reduce_sum3A_31 = arith.constant dense<0.000000e+00> : vector<896xf32>
    %reduce_sum3A_32 = vector.multi_reduction <add>, %mul3A, %reduce_sum3A_31 [1] : vector<896x768xf32> to vector<896xf32>
    %broadcast_in_dim3A_33 = vector.shape_cast %reduce_sum3A_32 : vector<896xf32> to vector<896x1xf32>
    %sub3A_34 = arith.subf %broadcast_in_dim3A_33, %add3A : vector<896x1xf32>
    %add3A_35 = arith.addf %sub3A_34, %add3A_28 : vector<896x1xf32>
    %mul3A_36 = arith.mulf %add3A_35, %convert_element_type3A_4 : vector<896x1xf32>
    %swap3A_37 = arith.constant 0 : index
    %swap3A_38 = arith.constant 0 : index
    %swap3A_39 = vector.load %arg4[%swap3A_37, %swap3A_38] : memref<896x1xf32, #tpu.memory_space<vmem>>, vector<896x1xf32>
    tpu.vector_store %arg4[%swap3A_37, %swap3A_38], %mul3A_36 {strides = array<i32>} : memref<896x1xf32, #tpu.memory_space<vmem>>, vector<896x1xf32>,
    return
  }
  func.func @transform_0(%arg0: i32) -> (i32, i32) {
    %c0_i32 = arith.constant 0 : i32
    %c0_i32_0 = arith.constant 0 : i32
    return %arg0, %c0_i32 : i32, i32
  }
  func.func @transform_1(%arg0: i32) -> (i32, i32) {
    %c0_i32 = arith.constant 0 : i32
    %c0_i32_0 = arith.constant 0 : i32
    return %arg0, %c0_i32 : i32, i32
  }
  func.func @transform_2(%arg0: i32) -> (i32, i32) {
    %c0_i32 = arith.constant 0 : i32
    %c0_i32_0 = arith.constant 0 : i32
    return %arg0, %c0_i32 : i32, i32
  }
  func.func @transform_3(%arg0: i32) -> (i32, i32) {
    %c0_i32 = arith.constant 0 : i32
    %c0_i32_0 = arith.constant 0 : i32
    return %arg0, %c0_i32 : i32, i32
  }
  func.func @transform_4(%arg0: i32) -> (i32, i32) {
    %c0_i32 = arith.constant 0 : i32
    %c0_i32_0 = arith.constant 0 : i32
    return %arg0, %c0_i32 : i32, i32
  }
}

module attributes {stable_mosaic.version = 14 : i64} {
  func.func @_losses_kernel(%arg0: memref<128x768xf32, #tpu.memory_space<vmem>>, %arg1: memref<1000x768xf32, #tpu.memory_space<vmem>>, %arg2: memref<1000x128xf32, #tpu.memory_space<vmem>>, %arg3: memref<1x128xi32, #tpu.memory_space<vmem>>, %arg4: memref<6272x1xf32, #tpu.memory_space<vmem>>, %arg5: memref<6272x1xf32, #tpu.memory_space<vmem>>, %arg6: memref<196x128xf32, #tpu.memory_space<vmem>>, %arg7: memref<196x128xf32, #tpu.memory_space<vmem>>, %arg8: memref<196x128xf32, #tpu.memory_space<vmem>>, %arg9: memref<1x1xf32, #tpu.memory_space<vmem>>, %arg10: memref<1x1xf32, #tpu.memory_space<vmem>>, %arg11: memref<1x1xf32, #tpu.memory_space<vmem>>, %arg12: memref<1x1xf32, #tpu.memory_space<vmem>>, %arg13: memref<1x1xf32, #tpu.memory_space<vmem>>) attributes {dimension_semantics = [], scalar_prefetch = 0 : i64, scratch_operands = 0 : i64, tpu.core_type = #tpu.core_type<tc>} {
    %get3A = arith.constant 0 : index
    %get3A_0 = arith.constant 0 : index
    %get3A_1 = vector.load %arg0[%get3A, %get3A_0] : memref<128x768xf32, #tpu.memory_space<vmem>>, vector<128x768xf32>
    %mul3A = arith.constant 0.00510204071 : f32
    %mul3A_2 = vector.broadcast %mul3A : f32 to vector<128x768xf32>
    %mul3A_3 = arith.mulf %get3A_1, %mul3A_2 : vector<128x768xf32>
    %get3A_4 = arith.constant 0 : index
    %get3A_5 = arith.constant 0 : index
    %get3A_6 = vector.load %arg1[%get3A_4, %get3A_5] : memref<1000x768xf32, #tpu.memory_space<vmem>>, vector<1000x768xf32>
    %dot_general3A = arith.constant dense<0.000000e+00> : vector<1000x128xf32>
    %dot_general3A_7 = tpu.matmul %get3A_6, %mul3A_3, %dot_general3A {dimension_numbers = #tpu.dot_dimension_numbers<[1], [1], [0], [0], [0, 0, 1, 0], [], []>, transpose_lhs_hint = false} : vector<1000x768xf32>, vector<128x768xf32>, vector<1000x128xf32> -> vector<1000x128xf32>
    %get3A_8 = arith.constant 0 : index
    %get3A_9 = arith.constant 0 : index
    %get3A_10 = vector.load %arg2[%get3A_8, %get3A_9] : memref<1000x128xf32, #tpu.memory_space<vmem>>, vector<1000x128xf32>
    %reduce_max3A = arith.constant dense<0xFF800000> : vector<128xf32>
    %reduce_max3A_11 = vector.multi_reduction <maximumf>, %dot_general3A_7, %reduce_max3A [0] : vector<1000x128xf32> to vector<128xf32>
    %broadcast_in_dim3A = vector.shape_cast %reduce_max3A_11 : vector<128xf32> to vector<1x128xf32>
    %sub3A = vector.broadcast %broadcast_in_dim3A : vector<1x128xf32> to vector<1000x128xf32>
    %sub3A_12 = arith.subf %dot_general3A_7, %sub3A : vector<1000x128xf32>
    %exp3A = math.exp %sub3A_12 : vector<1000x128xf32>
    %reduce_sum3A = arith.constant dense<0.000000e+00> : vector<128xf32>
    %reduce_sum3A_13 = vector.multi_reduction <add>, %exp3A, %reduce_sum3A [0] : vector<1000x128xf32> to vector<128xf32>
    %broadcast_in_dim3A_14 = vector.shape_cast %reduce_sum3A_13 : vector<128xf32> to vector<1x128xf32>
    %log3A = math.log %broadcast_in_dim3A_14 : vector<1x128xf32>
    %add3A = arith.addf %broadcast_in_dim3A, %log3A : vector<1x128xf32>
    %sub3A_15 = vector.broadcast %add3A : vector<1x128xf32> to vector<1000x128xf32>
    %sub3A_16 = arith.subf %dot_general3A_7, %sub3A_15 : vector<1000x128xf32>
    %reduce_max3A_17 = arith.constant dense<0xFF800000> : vector<128xf32>
    %reduce_max3A_18 = vector.multi_reduction <maximumf>, %get3A_10, %reduce_max3A_17 [0] : vector<1000x128xf32> to vector<128xf32>
    %broadcast_in_dim3A_19 = vector.shape_cast %reduce_max3A_18 : vector<128xf32> to vector<1x128xf32>
    %sub3A_20 = vector.broadcast %broadcast_in_dim3A_19 : vector<1x128xf32> to vector<1000x128xf32>
    %sub3A_21 = arith.subf %get3A_10, %sub3A_20 : vector<1000x128xf32>
    %exp3A_22 = math.exp %sub3A_21 : vector<1000x128xf32>
    %reduce_sum3A_23 = arith.constant dense<0.000000e+00> : vector<128xf32>
    %reduce_sum3A_24 = vector.multi_reduction <add>, %exp3A_22, %reduce_sum3A_23 [0] : vector<1000x128xf32> to vector<128xf32>
    %broadcast_in_dim3A_25 = vector.shape_cast %reduce_sum3A_24 : vector<128xf32> to vector<1x128xf32>
    %log3A_26 = math.log %broadcast_in_dim3A_25 : vector<1x128xf32>
    %add3A_27 = arith.addf %broadcast_in_dim3A_19, %log3A_26 : vector<1x128xf32>
    %sub3A_28 = vector.broadcast %add3A_27 : vector<1x128xf32> to vector<1000x128xf32>
    %sub3A_29 = arith.subf %get3A_10, %sub3A_28 : vector<1000x128xf32>
    %exp3A_30 = math.exp %sub3A_16 : vector<1000x128xf32>
    %sub3A_31 = arith.subf %sub3A_16, %sub3A_29 : vector<1000x128xf32>
    %mul3A_32 = arith.mulf %exp3A_30, %sub3A_31 : vector<1000x128xf32>
    %reduce_sum3A_33 = vector.shape_cast %mul3A_32 : vector<1000x128xf32> to vector<1x1000x128xf32>
    %reduce_sum3A_34 = arith.constant dense<0.000000e+00> : vector<1xf32>
    %reduce_sum3A_35 = vector.multi_reduction <add>, %reduce_sum3A_33, %reduce_sum3A_34 [1, 2] : vector<1x1000x128xf32> to vector<1xf32>
    %reduce_sum3A_36 = vector.shape_cast %reduce_sum3A_35 : vector<1xf32> to vector<1x1x1xf32>
    %reduce_sum3A_37 = vector.extract %reduce_sum3A_36[0, 0, 0] : f32 from vector<1x1x1xf32>
    %div3A = arith.constant 1.280000e+02 : f32
    %div3A_38 = arith.divf %reduce_sum3A_37, %div3A : f32
    %iota3A = tpu.iota {dimensions = array<i32: 0>} : vector<1000x128xi32>
    %get3A_39 = arith.constant 0 : index
    %get3A_40 = arith.constant 0 : index
    %get3A_41 = vector.load %arg3[%get3A_39, %get3A_40] : memref<1x128xi32, #tpu.memory_space<vmem>>, vector<1x128xi32>
    %eq3A = vector.broadcast %get3A_41 : vector<1x128xi32> to vector<1000x128xi32>
    %eq3A_42 = arith.cmpi eq, %eq3A, %iota3A : vector<1000x128xi32>
    %convert_element_type3A = arith.extui %eq3A_42 : vector<1000x128xi1> to vector<1000x128xi32>
    %convert_element_type3A_43 = arith.sitofp %convert_element_type3A : vector<1000x128xi32> to vector<1000x128xf32>
    %mul3A_44 = arith.mulf %sub3A_29, %convert_element_type3A_43 : vector<1000x128xf32>
    %reduce_sum3A_45 = vector.shape_cast %mul3A_44 : vector<1000x128xf32> to vector<1x1000x128xf32>
    %reduce_sum3A_46 = arith.constant dense<0.000000e+00> : vector<1xf32>
    %reduce_sum3A_47 = vector.multi_reduction <add>, %reduce_sum3A_45, %reduce_sum3A_46 [1, 2] : vector<1x1000x128xf32> to vector<1xf32>
    %reduce_sum3A_48 = vector.shape_cast %reduce_sum3A_47 : vector<1xf32> to vector<1x1x1xf32>
    %reduce_sum3A_49 = vector.extract %reduce_sum3A_48[0, 0, 0] : f32 from vector<1x1x1xf32>
    %neg3A = arith.constant 0.000000e+00 : f32
    %neg3A_50 = arith.subf %neg3A, %reduce_sum3A_49 : f32
    %div3A_51 = arith.constant 1.280000e+02 : f32
    %div3A_52 = arith.divf %neg3A_50, %div3A_51 : f32
    %get3A_53 = arith.constant 0 : index
    %get3A_54 = arith.constant 0 : index
    %get3A_55 = vector.load %arg6[%get3A_53, %get3A_54] : memref<196x128xf32, #tpu.memory_space<vmem>>, vector<196x128xf32>
    %reduce_sum3A_56 = arith.constant dense<0.000000e+00> : vector<128xf32>
    %reduce_sum3A_57 = vector.multi_reduction <add>, %get3A_55, %reduce_sum3A_56 [0] : vector<196x128xf32> to vector<128xf32>
    %div3A_58 = arith.constant 1.960000e+02 : f32
    %div3A_59 = vector.broadcast %div3A_58 : f32 to vector<128xf32>
    %div3A_60 = arith.divf %reduce_sum3A_57, %div3A_59 : vector<128xf32>
    %sub3A_61 = arith.constant 7.500000e-01 : f32
    %sub3A_62 = vector.broadcast %sub3A_61 : f32 to vector<128xf32>
    %sub3A_63 = arith.subf %div3A_60, %sub3A_62 : vector<128xf32>
    %integer_pow3A = arith.mulf %sub3A_63, %sub3A_63 : vector<128xf32>
    %reduce_sum3A_64 = vector.shape_cast %integer_pow3A : vector<128xf32> to vector<1x128xf32>
    %reduce_sum3A_65 = arith.constant dense<0.000000e+00> : vector<1xf32>
    %reduce_sum3A_66 = vector.multi_reduction <add>, %reduce_sum3A_64, %reduce_sum3A_65 [1] : vector<1x128xf32> to vector<1xf32>
    %reduce_sum3A_67 = vector.shape_cast %reduce_sum3A_66 : vector<1xf32> to vector<1x1xf32>
    %reduce_sum3A_68 = vector.extract %reduce_sum3A_67[0, 0] : f32 from vector<1x1xf32>
    %div3A_69 = arith.constant 1.280000e+02 : f32
    %div3A_70 = arith.divf %reduce_sum3A_68, %div3A_69 : f32
    %add3A_71 = arith.constant 0.000000e+00 : f32
    %add3A_72 = arith.addf %add3A_71, %div3A_70 : f32
    %get3A_73 = arith.constant 0 : index
    %get3A_74 = arith.constant 0 : index
    %get3A_75 = vector.load %arg7[%get3A_73, %get3A_74] : memref<196x128xf32, #tpu.memory_space<vmem>>, vector<196x128xf32>
    %reduce_sum3A_76 = arith.constant dense<0.000000e+00> : vector<128xf32>
    %reduce_sum3A_77 = vector.multi_reduction <add>, %get3A_75, %reduce_sum3A_76 [0] : vector<196x128xf32> to vector<128xf32>
    %div3A_78 = arith.constant 1.960000e+02 : f32
    %div3A_79 = vector.broadcast %div3A_78 : f32 to vector<128xf32>
    %div3A_80 = arith.divf %reduce_sum3A_77, %div3A_79 : vector<128xf32>
    %sub3A_81 = arith.constant 5.000000e-01 : f32
    %sub3A_82 = vector.broadcast %sub3A_81 : f32 to vector<128xf32>
    %sub3A_83 = arith.subf %div3A_80, %sub3A_82 : vector<128xf32>
    %integer_pow3A_84 = arith.mulf %sub3A_83, %sub3A_83 : vector<128xf32>
    %reduce_sum3A_85 = vector.shape_cast %integer_pow3A_84 : vector<128xf32> to vector<1x128xf32>
    %reduce_sum3A_86 = arith.constant dense<0.000000e+00> : vector<1xf32>
    %reduce_sum3A_87 = vector.multi_reduction <add>, %reduce_sum3A_85, %reduce_sum3A_86 [1] : vector<1x128xf32> to vector<1xf32>
    %reduce_sum3A_88 = vector.shape_cast %reduce_sum3A_87 : vector<1xf32> to vector<1x1xf32>
    %reduce_sum3A_89 = vector.extract %reduce_sum3A_88[0, 0] : f32 from vector<1x1xf32>
    %div3A_90 = arith.constant 1.280000e+02 : f32
    %div3A_91 = arith.divf %reduce_sum3A_89, %div3A_90 : f32
    %add3A_92 = arith.addf %add3A_72, %div3A_91 : f32
    %get3A_93 = arith.constant 0 : index
    %get3A_94 = arith.constant 0 : index
    %get3A_95 = vector.load %arg8[%get3A_93, %get3A_94] : memref<196x128xf32, #tpu.memory_space<vmem>>, vector<196x128xf32>
    %reduce_sum3A_96 = arith.constant dense<0.000000e+00> : vector<128xf32>
    %reduce_sum3A_97 = vector.multi_reduction <add>, %get3A_95, %reduce_sum3A_96 [0] : vector<196x128xf32> to vector<128xf32>
    %div3A_98 = arith.constant 1.960000e+02 : f32
    %div3A_99 = vector.broadcast %div3A_98 : f32 to vector<128xf32>
    %div3A_100 = arith.divf %reduce_sum3A_97, %div3A_99 : vector<128xf32>
    %sub3A_101 = arith.constant 2.500000e-01 : f32
    %sub3A_102 = vector.broadcast %sub3A_101 : f32 to vector<128xf32>
    %sub3A_103 = arith.subf %div3A_100, %sub3A_102 : vector<128xf32>
    %integer_pow3A_104 = arith.mulf %sub3A_103, %sub3A_103 : vector<128xf32>
    %reduce_sum3A_105 = vector.shape_cast %integer_pow3A_104 : vector<128xf32> to vector<1x128xf32>
    %reduce_sum3A_106 = arith.constant dense<0.000000e+00> : vector<1xf32>
    %reduce_sum3A_107 = vector.multi_reduction <add>, %reduce_sum3A_105, %reduce_sum3A_106 [1] : vector<1x128xf32> to vector<1xf32>
    %reduce_sum3A_108 = vector.shape_cast %reduce_sum3A_107 : vector<1xf32> to vector<1x1xf32>
    %reduce_sum3A_109 = vector.extract %reduce_sum3A_108[0, 0] : f32 from vector<1x1xf32>
    %div3A_110 = arith.constant 1.280000e+02 : f32
    %div3A_111 = arith.divf %reduce_sum3A_109, %div3A_110 : f32
    %add3A_112 = arith.addf %add3A_92, %div3A_111 : f32
    %get3A_113 = arith.constant 0 : index
    %get3A_114 = arith.constant 0 : index
    %get3A_115 = vector.load %arg5[%get3A_113, %get3A_114] : memref<6272x1xf32, #tpu.memory_space<vmem>>, vector<6272x1xf32>
    %reduce_sum3A_116 = vector.shape_cast %get3A_115 : vector<6272x1xf32> to vector<1x6272x1xf32>
    %reduce_sum3A_117 = arith.constant dense<0.000000e+00> : vector<1xf32>
    %reduce_sum3A_118 = vector.multi_reduction <add>, %reduce_sum3A_116, %reduce_sum3A_117 [1, 2] : vector<1x6272x1xf32> to vector<1xf32>
    %reduce_sum3A_119 = vector.shape_cast %reduce_sum3A_118 : vector<1xf32> to vector<1x1x1xf32>
    %reduce_sum3A_120 = vector.extract %reduce_sum3A_119[0, 0, 0] : f32 from vector<1x1x1xf32>
    %get3A_121 = arith.constant 0 : index
    %get3A_122 = arith.constant 0 : index
    %get3A_123 = vector.load %arg4[%get3A_121, %get3A_122] : memref<6272x1xf32, #tpu.memory_space<vmem>>, vector<6272x1xf32>
    %reduce_sum3A_124 = vector.shape_cast %get3A_123 : vector<6272x1xf32> to vector<1x6272x1xf32>
    %reduce_sum3A_125 = arith.constant dense<0.000000e+00> : vector<1xf32>
    %reduce_sum3A_126 = vector.multi_reduction <add>, %reduce_sum3A_124, %reduce_sum3A_125 [1, 2] : vector<1x6272x1xf32> to vector<1xf32>
    %reduce_sum3A_127 = vector.shape_cast %reduce_sum3A_126 : vector<1xf32> to vector<1x1x1xf32>
    %reduce_sum3A_128 = vector.extract %reduce_sum3A_127[0, 0, 0] : f32 from vector<1x1x1xf32>
    %lt3A = arith.constant 1.000000e-01 : f32
    %lt3A_129 = arith.cmpf olt, %reduce_sum3A_120, %lt3A : f32
    %max3A = arith.constant 1.000000e+00 : f32
    %max3A_130 = arith.maximumf %reduce_sum3A_120, %max3A : f32
    %div3A_131 = arith.divf %reduce_sum3A_128, %max3A_130 : f32
    %jit3A = arith.constant 0.000000e+00 : f32
    %select_n3A = arith.select %lt3A_129, %jit3A, %div3A_131 : f32
    %mul3A_132 = arith.constant 1.000000e+00 : f32
    %mul3A_133 = arith.mulf %mul3A_132, %div3A_52 : f32
    %mul3A_134 = arith.constant 2.000000e+00 : f32
    %mul3A_135 = arith.mulf %mul3A_134, %add3A_112 : f32
    %div3A_136 = arith.constant 3.000000e+00 : f32
    %div3A_137 = arith.divf %mul3A_135, %div3A_136 : f32
    %mul3A_138 = arith.constant 5.000000e-01 : f32
    %mul3A_139 = arith.mulf %mul3A_138, %div3A_38 : f32
    %mul3A_140 = arith.constant 5.000000e-01 : f32
    %mul3A_141 = arith.mulf %mul3A_140, %select_n3A : f32
    %add3A_142 = arith.addf %mul3A_133, %div3A_137 : f32
    %add3A_143 = arith.addf %add3A_142, %mul3A_139 : f32
    %add3A_144 = arith.addf %add3A_143, %mul3A_141 : f32
    %broadcast_in_dim3A_145 = vector.broadcast %add3A_144 : f32 to vector<1x1xf32>
    %swap3A = arith.constant 0 : index
    %swap3A_146 = arith.constant 0 : index
    %swap3A_147 = vector.load %arg9[%swap3A, %swap3A_146] : memref<1x1xf32, #tpu.memory_space<vmem>>, vector<1x1xf32>
    tpu.vector_store %arg9[%swap3A, %swap3A_146], %broadcast_in_dim3A_145 {strides = array<i32>} : memref<1x1xf32, #tpu.memory_space<vmem>>, vector<1x1xf32>,
    %broadcast_in_dim3A_148 = vector.broadcast %mul3A_133 : f32 to vector<1x1xf32>
    %swap3A_149 = arith.constant 0 : index
    %swap3A_150 = arith.constant 0 : index
    %swap3A_151 = vector.load %arg10[%swap3A_149, %swap3A_150] : memref<1x1xf32, #tpu.memory_space<vmem>>, vector<1x1xf32>
    tpu.vector_store %arg10[%swap3A_149, %swap3A_150], %broadcast_in_dim3A_148 {strides = array<i32>} : memref<1x1xf32, #tpu.memory_space<vmem>>, vector<1x1xf32>,
    %broadcast_in_dim3A_152 = vector.broadcast %div3A_137 : f32 to vector<1x1xf32>
    %swap3A_153 = arith.constant 0 : index
    %swap3A_154 = arith.constant 0 : index
    %swap3A_155 = vector.load %arg11[%swap3A_153, %swap3A_154] : memref<1x1xf32, #tpu.memory_space<vmem>>, vector<1x1xf32>
    tpu.vector_store %arg11[%swap3A_153, %swap3A_154], %broadcast_in_dim3A_152 {strides = array<i32>} : memref<1x1xf32, #tpu.memory_space<vmem>>, vector<1x1xf32>,
    %broadcast_in_dim3A_156 = vector.broadcast %mul3A_139 : f32 to vector<1x1xf32>
    %swap3A_157 = arith.constant 0 : index
    %swap3A_158 = arith.constant 0 : index
    %swap3A_159 = vector.load %arg12[%swap3A_157, %swap3A_158] : memref<1x1xf32, #tpu.memory_space<vmem>>, vector<1x1xf32>
    tpu.vector_store %arg12[%swap3A_157, %swap3A_158], %broadcast_in_dim3A_156 {strides = array<i32>} : memref<1x1xf32, #tpu.memory_space<vmem>>, vector<1x1xf32>,
    %broadcast_in_dim3A_160 = vector.broadcast %mul3A_141 : f32 to vector<1x1xf32>
    %swap3A_161 = arith.constant 0 : index
    %swap3A_162 = arith.constant 0 : index
    %swap3A_163 = vector.load %arg13[%swap3A_161, %swap3A_162] : memref<1x1xf32, #tpu.memory_space<vmem>>, vector<1x1xf32>
    tpu.vector_store %arg13[%swap3A_161, %swap3A_162], %broadcast_in_dim3A_160 {strides = array<i32>} : memref<1x1xf32, #tpu.memory_space<vmem>>, vector<1x1xf32>,
    return
  }
}

</mosaic_0001>

<sc_bundles>
// kernel: kernel.6.cloned.1.call-start
scs
__scs_entry_jumppad:
0x0: {  	(pc) =	sbr.rel $0x88, $3  }
0x1: {  	(tag) =	ssettag $0x0;
	lr =	simm.s32 $0x1  }
0x2: {  	[smem:$0x3F96] =	sst lr;
	_ =	strace $0xD0000000  }
0x3: {  	_ = 	snop  }
0x4: {  	_ = 	snop  }
0x5: {  	_ = 	snop  }
0x6: {  	_ = 	snop  }
0x7: {  	_ = 	snop  }
__scs_overlays_trampoline_lowered:
0x8: {  	[smem:$0x3FA5] =	sst s0  }
0x9: {  	[smem:$0x3FA6] =	sst s1  }
0xa: {  	[smem:$0x3FA7] =	sst s2  }
0xb: {  	[smem:$0x3FA8] =	sst s3  }
0xc: {  	[smem:$0x3FA9] =	sst s4  }
0xd: {  	[smem:$0x3FAA] =	sst s5  }
0xe: {  	[smem:$0x3FAB] =	sst s6  }
0xf: {  	[smem:$0x3FAC] =	sst s7  }
0x10: {  	[smem:$0x3FAD] =	sst s8  }
0x11: {  	[smem:$0x3FAE] =	sst s9;
	s0 =	simm.s32 @!p0 $0x0  }
0x12: {  	s1 =	sld [smem:$0x3F94];
	s0 =	simm.s32 @p0 $0x1  }
0x13: {  	[smem:$0x3FAF] =	sst s0;
	s0 =	simm.s32 @!p1 $0x0  }
0x14: {  	s2 =	sld [smem:$0x3F93];
	s0 =	simm.s32 @p1 $0x1  }
0x15: {  	[smem:$0x3FB0] =	sst s0;
	s0 =	simm.s32 @!p2 $0x0  }
0x16: {  	s3 =	sld [smem:$0x3FDB];
	s0 =	simm.s32 @p2 $0x1  }
0x17: {  	s4 =	simm.s32 $0x1BF5;
	[smem:$0x3FB2] =	sst s0  }
0x18: {  	s0 =	sld [smem:$0x3F95];
	_ =	swait.ge [sflag:s4], $0x0  }
0x19: {  	s7 =	sld [smem:$0x3F96]  }
0x1a: {  	s8 =	sadd.s32 $0xFFFFE003, lr  }
0x1b: {  	s9 =	sadd.s32 $0xFFFFFEF7, lr;
	s5 =	simm.s32 $0xFFFFFFFF;
	p2 =	slt.u32 s8, $0xFFFFF086  }
0x1c: {  	p1 =	slt.u32 s9, $0xF7A;
	s5 =	simm.s32 @!p2 $0x0  }
0x1d: {  	s5 =	simm.s32 @p1 $0x1;
	p0 =	seq.s32 s7, s2  }
0x1e: {  	s7 =	smul.u32 @!p0 $0xF7A, s2;
	p2 =	seq.s32 @!p0 s5, $0x0  }
0x1f: {  	s9 =	smul.u32 $0xF7A, s1;
	s8 =	simm.s32 @!p0 $0x1BF5;
	p2 =	por !p2, p0  }
0x20: {  	[sflag:s8] =	ssyncset.s32 @!p0 $0xFFFFF086;
	s6 =	sadd.s32 @!p0 s3, s7;
	s7 =	simm.s32 @!p0 $0x108  }
0x21: {  	s3 =	sadd.s32 s3, s9;
	s6 =	sadd.s32 @!p0 $0x88, s6;
	s7 =	simm.s32 @p2 $0x1082  }
0x22: {  	[simem:s7], [sflag:s8] =	dma.local @!p0 [hbm:s6], $0xF7A  }
0x23: {  	s9 =	sor.u32 $0xD0000000, s2;
	s6 =	simm.s32 $0x108;
	_ =	swait.ge @!p0 [sflag:s8], $0x0  }
0x24: {  	s3 =	sadd.s32 $0x88, s3;
	s6 =	simm.s32 @!p1 $0x1082;
	[sflag:s4] =	ssyncset.s32 $0xFFFFF086  }
0x25: {  	[simem:s6], [sflag:s4] =	dma.local [hbm:s3], $0xF7A  }
0x26: {  	[smem:$0x3F96] =	sst s1;
	(tag) =	ssettag s2;
	_ =	strace s9  }
0x27: {  	s1 =	sld [smem:$0x3FA6]  }
0x28: {  	s2 =	sld [smem:$0x3FA7]  }
0x29: {  	s4 =	sld [smem:$0x3FA9]  }
0x2a: {  	p0 =	seq.s32 s5, $0x0;
	s5 =	sld [smem:$0x3FAA]  }
0x2b: {  	s6 =	sld [smem:$0x3FAB]  }
0x2c: {  	s7 =	sld [smem:$0x3FAC]  }
0x2d: {  	s3 =	simm.s32 $0x108;
	s8 =	sld [smem:$0x3FAD]  }
0x2e: {  	s3 =	simm.s32 @!p0 $0x1082;
	s9 =	sld [smem:$0x3FAE]  }
0x2f: {  	lr =	sadd.s32 s0, s3;
	s0 =	sld [smem:$0x3FA5]  }
0x30: {  	s3 =	sld [smem:$0x3FA8]  }
0x31: {  	[smem:$0x3FB1] =	sst s10  }
0x32: {  	s10 =	sld [smem:$0x3FAF];
	_ =	sdelay $0x3  }
0x33: {  	p0 =	seq.s32 s10, $0x1;
	s10 =	sld [smem:$0x3FB1];
	_ =	sdelay $0x3  }
0x34: {  	[smem:$0x3FB1] =	sst s10  }
0x35: {  	s10 =	sld [smem:$0x3FB0];
	_ =	sdelay $0x3  }
0x36: {  	p1 =	seq.s32 s10, $0x1;
	s10 =	sld [smem:$0x3FB1];
	_ =	sdelay $0x3  }
0x37: {  	[smem:$0x3FB1] =	sst s10  }
0x38: {  	s10 =	sld [smem:$0x3FB2]  }
0x39: {  	_ = 	snop;
	(pc) =	sbr.ind lr, $3  }
0x3a: {  	_ = 	snop  }
0x3b: {  	_ = 	snop  }
0x3c: {  	p2 =	seq.s32 s10, $0x1;
	s10 =	sld [smem:$0x3FB1]  }
0x3d: {  	_ =	shalt  }
0x3e: {  	_ =	shalt  }
0x3f: {  	_ =	shalt  }
0x40: {  	_ =	shalt  }
0x41: {  	_ =	shalt  }
0x42: {  	_ =	shalt  }
0x43: {  	_ =	shalt  }
0x44: {  	_ =	shalt  }
0x45: {  	_ =	shalt  }
0x46: {  	_ =	shalt  }
0x47: {  	_ =	shalt  }
0x48: {  	_ =	shalt  }
0x49: {  	_ =	shalt  }
0x4a: {  	_ =	shalt  }
0x4b: {  	_ =	shalt  }
0x4c: {  	_ =	shalt  }
0x4d: {  	_ =	shalt  }
0x4e: {  	_ =	shalt  }
0x4f: {  	_ =	shalt  }
0x50: {  	_ =	shalt  }
0x51: {  	_ =	shalt  }
0x52: {  	_ =	shalt  }
0x53: {  	_ =	shalt  }
0x54: {  	_ =	shalt  }
0x55: {  	_ =	shalt  }
0x56: {  	_ =	shalt  }
0x57: {  	_ =	shalt  }
0x58: {  	_ =	shalt  }
0x59: {  	_ =	shalt  }
0x5a: {  	_ =	shalt  }
0x5b: {  	_ =	shalt  }
0x5c: {  	_ =	shalt  }
0x5d: {  	_ =	shalt  }
0x5e: {  	_ =	shalt  }
0x5f: {  	_ =	shalt  }
0x60: {  	_ =	shalt  }
0x61: {  	_ =	shalt  }
0x62: {  	_ =	shalt  }
0x63: {  	_ =	shalt  }
0x64: {  	_ =	shalt  }
0x65: {  	_ =	shalt  }
0x66: {  	_ =	shalt  }
0x67: {  	_ =	shalt  }
0x68: {  	_ =	shalt  }
0x69: {  	_ =	shalt  }
0x6a: {  	_ =	shalt  }
0x6b: {  	_ =	shalt  }
0x6c: {  	_ =	shalt  }
0x6d: {  	_ =	shalt  }
0x6e: {  	_ =	shalt  }
0x6f: {  	_ =	shalt  }
0x70: {  	_ =	shalt  }
0x71: {  	_ =	shalt  }
0x72: {  	_ =	shalt  }
0x73: {  	_ =	shalt  }
0x74: {  	_ =	shalt  }
0x75: {  	_ =	shalt  }
0x76: {  	_ =	shalt  }
0x77: {  	_ =	shalt  }
0x78: {  	_ =	shalt  }
0x79: {  	_ =	shalt  }
0x7a: {  	_ =	shalt  }
0x7b: {  	_ =	shalt  }
0x7c: {  	_ =	shalt  }
0x7d: {  	_ =	shalt  }
0x7e: {  	_ =	shalt  }
0x7f: {  	_ =	shalt  }
0x80: {  	_ =	shalt  }
0x81: {  	_ =	shalt  }
0x82: {  	_ =	shalt  }
0x83: {  	_ =	shalt  }
0x84: {  	_ =	shalt  }
0x85: {  	_ =	shalt  }
0x86: {  	_ =	shalt  }
0x87: {  	_ =	shalt  }
.Lfunc_end0:
.L_simem_size_0:
called_computation.2_lowered:
.L_overlay_start_0:
0x88: {  	s2 =	sld [smem:$0x3FD9]  }
0x89: {  	s3 =	sld [smem:$0x3FFE];
	_ =	sdelay $0x1  }
0x8a: {  	s1 =	srdreg.scid  }
0x8b: {  	s0 =	sand.u32 $0x1, s1  }
0x8c: {  	s16 =	sshll.u32 s0, $0xA;
	s2 =	sadd.s32 s3, s2  }
0x8d: {  	s2 =	sadd.s32 s2, s16  }
0x8e: {  	[smem:$0x3FBD] =	sst s2  }
0x8f: {  	_ = 	snop  }
0x90: {  	(tm) =	ssettm $0x1  }
0x91: {  	s17 =	sld [smem:$0x3FFB];
	_ =	sdelay $0x3  }
0x92: {  	_ =	strace s17  }
0x93: {  	s2 =	sld [smem:$0x3FFC];
	_ =	sdelay $0x3  }
0x94: {  	_ =	strace s2  }
0x95: {  	s2 =	sld [smem:$0x3FFD];
	_ =	sdelay $0x3  }
0x96: {  	_ =	strace s2  }
0x97: {  	_ =	strace $0x8FFFFFFF  }
0x98: {  	s18 =	sld [smem:$0x3FDB];
	_ =	sdelay $0x1  }
0x99: {  	s19 =	simm.s32 $_scs_section_size  }
0x9a: {  	s4 =	simm.s32 $_size__tile_overlayer_lowered;
	s5 =	simm.s32 $_tile_overlayer_lowered  }
0x9b: {  	s22 =	simm.s32 $0x1BFF;
	s21 =	sshll.u32 s5, $0x1;
	s2 =	sadd.s32 s19, s18  }
0x9c: {  	s6 =	simm.s32 $0x0;
	s20 =	sshll.u32 s4, $0x1;
	s4 =	sadd.s32 s21, s2  }
0x9d: {  	[timem:s6], [sflag:s22] =	dma.local [hbm:s4], s20  }
0x9e: {  	_ =	swait.ge [sflag:s22], s20  }
0x9f: {  	s3 =	ssub.s32 $0x0, s20;
	[sflag:s22] =	ssyncset.done $0x0  }
0xa0: {  	[sflag:s22] =	ssyncadd.s32 s3;
	_ =	sdelay $0x1  }
0xa1: {  	s23 =	simm.s32 $0x1B8B  }
0xa2: {  	_ =	swait.ge [sflag:s23], $0x1  }
0xa3: {  	[sflag:s23] =	ssyncset.done $0x0  }
0xa4: {  	s25 =	simm.s32 $0x1B8E;
	s24 =	sld [smem:$0x3FFE];
	[sflag:s23] =	ssyncadd.s32 $0xFFFFFFFF  }
0xa5: {  	s26 =	simm.s32 $execute0_lowered;
	[smem:$0x3FD2] =	sst s25  }
0xa6: {  	s4 =	sshll.u32 s26, $0x1;
	_ =	strace $0x8000004C;
	[dreg:$0x1] =	wrdreg $0xFFFFFFFF  }
0xa7: {  	s28 =	simm.s32 $_size_execute0_lowered;
	s2 =	sadd.s32 s2, s4;
	[dreg:$0x0] =	wrdreg $0x0  }
0xa8: {  	s4 =	sshll.u32 s28, $0x1;
	[dreg:$0x2] =	wrdreg s2  }
0xa9: {  	[dreg:$0x3] =	wrdreg s4  }
0xaa: {  	[dreg:$0x4] =	wrdreg $0xC0  }
0xab: {  	_ =	task [dreg:s6], $0x5FFFF  }
0xac: {  	[dreg:$0x1] =	wrdreg $0xFFFFFFFF  }
0xad: {  	[dreg:$0x0] =	wrdreg $0x60  }
0xae: {  	[dreg:$0x2] =	wrdreg s24  }
0xaf: {  	[dreg:$0x3] =	wrdreg $0x9  }
0xb0: {  	_ =	task.clear_ibuf [dreg:s6], $0x4FFFF;
	_ =	strace $0x9000004C  }
0xb1: {  	s29 =	simm.s32 $0x9;
	_ =	strace $0x8000004E  }
0xb2: {  	_ =	swait.ge [sflag:s29], $0x1  }
0xb3: {  	[sflag:s29] =	ssyncadd.s32 $0xFFFFFFFF  }
0xb4: {  	_ =	strace $0x9000004E  }
0xb5: {  	_ =	sfence  }
0xb6: {  	s30 =	sld [smem:$0x0];
	_ =	sdelay $0x2  }
0xb7: {  	s31 =	sshll.u32 s1, $0xD;
	s1 =	sshrl.u32 s1, $0x2  }
0xb8: {  	s3 =	sand.u32 $0x4000, s31;
	s1 =	sadd.s32 s1, s30  }
0xb9: {  	s0 =	sor.u32 s3, s0;
	s1 =	sshll.u32 s1, $0x11  }
0xba: {  	s0 =	sor.u32 s1, s0  }
0xbb: {  	s0 =	sadd.s32 $0x8F2B, s0  }
0xbc: {  	[sflag:s0] =	ssyncadd.remote.s32 $0x1  }
0xbd: {  	_ =	sfence.sel $0xFFFF  }
0xbe: {  	[dreg:$0x0] =	wrdreg $0xFFFFFFFF;
	(pc) =	sbr.abs _section_cstart, $3  }
0xbf: {  	[dreg:$0x1] =	wrdreg $0xFFFFFFFF  }
0xc0: {  	_ =	task.clear_ibuf [dreg:s6], $0x2FFFF;
	_ =	strace $0x9FFFFFFF  }
0xc1: {  	(tm) =	ssettm $0x7FFFFFFF  }
tec
execute0_lowered:
.L_overlay_start_1:
0x0: {  	(tag) =	ssettag $0x1  }
0x1: {  	s5 =	rddreg [dreg:$0x0]  }
0x2: {  	s0 =	rddreg [dreg:$0x1];
	s2 =	simm.s32 $0x0;
	s3 =	srdreg.scid  }
0x3: {  	s1 =	stileid.u32;
	s16 =	simm.s32 $0x2;
	s17 =	simm.s32 $0x80  }
0x4: {  	s18 =	simm.s32 $0x880;
	s19 =	simm.s32 $0xC80;
	s20 =	simm.s32 $0x1480  }
0x5: {  	s21 =	simm.s32 $0x1880;
	s22 =	simm.s32 $0x2080;
	s23 =	simm.s32 $0x2480  }
0x6: {  	s24 =	simm.s32 $0x2C80;
	s25 =	simm.s32 $0x3080;
	s26 =	simm.s32 $0x3880  }
0x7: {  	s28 =	simm.s32 $0x1;
	s4 =	sand.u32 $0x1, s3;
	s29 =	sshll.u32 s1, $0x1  }
0x8: {  	[smem:$0x7FF] =	sst s2;
	s3 =	sadd.s32 $0x2200, s5;
	s6 =	sor.u32 s4, s29  }
0x9: {  	s11 =	sadd.s32 $0x251200, s5;
	s4 =	ssub.s32 $0x2, s4;
	s6 =	smul.u32 $0xC8, s6  }
0xa: {  	s12 =	sadd.s32 $0x12B200, s5;
	s5 =	sadd.s32 $0x2300, s5;
	s7 =	sshrl.u32 s4, $0x1  }
0xb: {  	s15 =	ssub.s32 s4, s7;
	s30 =	sshrl.u32 s6, $0x3;
	s31 =	sadd.s32 $0x28, s6  }
0xc: {  	s6 =	sadd.s32 $0x78, s6;
	s8 =	smul.u32 $0x180, s30;
	s7 =	sshrl.u32 s31, $0x3  }
0xd: {  	_ =	strace $0x8000004D;
	s13 =	sshrl.u32 s6, $0x3;
	s9 =	smul.u32 $0x180, s7  }
0xe: {  	s15 =	smax.u32 s15, $0x1;
	s4 =	sadd.s32 s11, s30;
	s14 =	smul.u32 $0x180, s13  }
0xf: {  	v2 =	vlaneseq.u32;
	s7 =	sadd.s32 s11, s7;
	s11 =	sadd.s32 s11, s13;
	s13 =	sadd.s32 $0x14, s4  }
0x10: {  	vm0 =	vmmov $0xffff;
	vm1 =	vmmov $0xff;
	v1 =	vshrl.u32 v2, $0x3;
	s6 =	sadd.s32 s12, s8;
	s8 =	sadd.s32 s12, s9;
	s9 =	sadd.s32 $0xA, s4  }
0x11: {  	v0 =	vand.u32 $0x7, v2;
	v2 =	vor.u32 $0x8, v2;
	v1 =	vmul.u32 $0x8, v1;
	s10 =	sadd.s32 $0xF00, s6;
	s12 =	sadd.s32 s12, s14;
	s14 =	sadd.s32 $0x1E00, s6  }
.LBB2_1:
0x12: {  	[tilespmem:s2], [sflag:$0x2] =	stream.linear.gather [hbm4b:s4+s2], $0x28, $0x38;
	[tilespmem:$0x3C80] =	vst v63  }
0x13: {  	_ =	swait.ge [sflag:s16], $0x28  }
0x14: {  	[sflag:s16] =	ssyncset.done $0x0  }
0x15: {  	[sflag:s16] =	ssyncadd.s32 $0xFFFFFFD8  }
0x16: {  	v3 =	vld [tilespmem:$0x0];
	_ =	sdelay $0x4  }
0x17: {  	v4 =	vshrl.u32 v3, $0x3  }
0x18: {  	v4 =	vmul.u32 $0x18, v4  }
0x19: {  	v3 =	vand.u32 $0x7, v3  }
0x1a: {  	v3 =	vor.u32 v3, v4  }
0x1b: {  	v4 =	vperm.xlane v3, v0;
	_ =	sdelay $0x1  }
0x1c: {  	v4 =	vadd.s32 v1, v4;
	_ =	sdelay $0x1  }
0x1d: {  	v3 =	vperm.xlane v3, v2;
	_ =	sdelay $0x1  }
0x1e: {  	v3 =	vadd.s32 v1, v3  }
0x1f: {  	[tilespmem:s17], [sflag:$0x1] =	stream.indirect_vreg.gather [hbm4b:s3+s2], $0x80, v4, vm0, $0xb8;
	[tilespmem:$0x3C80] =	vst v63  }
0x20: {  	_ = 	snop  }
0x21: {  	[tilespmem:s18], [sflag:$0x1] =	stream.indirect_vreg.gather [hbm4b:s5+s2], $0x80, v4, vm1, $0xb8;
	[tilespmem:$0x3C80] =	vst v63  }
0x22: {  	_ = 	snop  }
0x23: {  	[tilespmem:s19], [sflag:$0x1] =	stream.indirect_vreg.gather [hbm4b:s3+s2], $0x80, v3, vm0, $0xb8;
	[tilespmem:$0x3C80] =	vst v63  }
0x24: {  	_ = 	snop  }
0x25: {  	[tilespmem:s20], [sflag:$0x1] =	stream.indirect_vreg.gather [hbm4b:s5+s2], $0x80, v3, vm1, $0xb8;
	[tilespmem:$0x3C80] =	vst v63  }
0x26: {  	v3 =	vld [tilespmem:$0x10];
	_ =	sdelay $0x4  }
0x27: {  	v50 =	vshrl.u32 v3, $0x3  }
0x28: {  	v4 =	vmul.u32 $0x18, v50  }
0x29: {  	v3 =	vand.u32 $0x7, v3  }
0x2a: {  	v3 =	vor.u32 v3, v4  }
0x2b: {  	v4 =	vperm.xlane v3, v0;
	_ =	sdelay $0x1  }
0x2c: {  	v4 =	vadd.s32 v1, v4;
	_ =	sdelay $0x1  }
0x2d: {  	v3 =	vperm.xlane v3, v2;
	_ =	sdelay $0x1  }
0x2e: {  	v3 =	vadd.s32 v1, v3  }
0x2f: {  	[tilespmem:s21], [sflag:$0x1] =	stream.indirect_vreg.gather [hbm4b:s3+s2], $0x80, v4, vm0, $0xb8;
	[tilespmem:$0x3C80] =	vst v63  }
0x30: {  	_ = 	snop  }
0x31: {  	[tilespmem:s22], [sflag:$0x1] =	stream.indirect_vreg.gather [hbm4b:s5+s2], $0x80, v4, vm1, $0xb8;
	[tilespmem:$0x3C80] =	vst v63  }
0x32: {  	_ = 	snop  }
0x33: {  	[tilespmem:s23], [sflag:$0x1] =	stream.indirect_vreg.gather [hbm4b:s3+s2], $0x80, v3, vm0, $0xb8;
	[tilespmem:$0x3C80] =	vst v63  }
0x34: {  	_ = 	snop  }
0x35: {  	[tilespmem:s24], [sflag:$0x1] =	stream.indirect_vreg.gather [hbm4b:s5+s2], $0x80, v3, vm1, $0xb8;
	[tilespmem:$0x3C80] =	vst v63  }
0x36: {  	v3 =	vld.msk [tilespmem:$0x20], $0xff;
	_ =	sdelay $0x4  }
0x37: {  	v51 =	vshrl.u32 v3, $0x3  }
0x38: {  	v4 =	vmul.u32 $0x18, v51  }
0x39: {  	v3 =	vand.u32 $0x7, v3  }
0x3a: {  	v3 =	vor.u32 v3, v4  }
0x3b: {  	v3 =	vperm.xlane v3, v0;
	_ =	sdelay $0x1  }
0x3c: {  	v3 =	vadd.s32 v1, v3;
	_ =	sdelay $0x4  }
0x3d: {  	[tilespmem:s25], [sflag:$0x1] =	stream.indirect_vreg.gather [hbm4b:s3+s2], $0x80, v3, vm0, $0xb8;
	[tilespmem:$0x3C80] =	vst v63  }
0x3e: {  	_ = 	snop  }
0x3f: {  	[tilespmem:s26], [sflag:$0x1] =	stream.indirect_vreg.gather [hbm4b:s5+s2], $0x80, v3, vm1, $0xb8;
	[tilespmem:$0x3C80] =	vst v63  }
0x40: {  	_ =	swait.ge [sflag:s28], $0x3C00  }
0x41: {  	[sflag:s28] =	ssyncset.done $0x0  }
0x42: {  	[sflag:s28] =	ssyncadd.s32 $0xFFFFC400  }
0x43: {  	[hbm4b:s6+s2] =	stream.linear.scatter [tilespmem:s17], [sflag:$0x2], $0x3C00, $0x38;
	[tilespmem:$0x3C80] =	vst v63  }
0x44: {  	_ =	swait.ge [sflag:s16], $0x3C00  }
0x45: {  	[sflag:s16] =	ssyncset.done $0x0  }
0x46: {  	[sflag:s16] =	ssyncadd.s32 $0xFFFFC400  }
0x47: {  	[tilespmem:s2], [sflag:$0x2] =	stream.linear.gather [hbm4b:s7+s2], $0x28, $0x38;
	[tilespmem:$0x3C80] =	vst v63  }
0x48: {  	_ =	swait.ge [sflag:s16], $0x28  }
0x49: {  	[sflag:s16] =	ssyncset.done $0x0  }
0x4a: {  	[sflag:s16] =	ssyncadd.s32 $0xFFFFFFD8  }
0x4b: {  	v3 =	vld [tilespmem:$0x0];
	_ =	sdelay $0x4  }
0x4c: {  	v52 =	vshrl.u32 v3, $0x3  }
0x4d: {  	v4 =	vmul.u32 $0x18, v52  }
0x4e: {  	v3 =	vand.u32 $0x7, v3  }
0x4f: {  	v3 =	vor.u32 v3, v4  }
0x50: {  	v4 =	vperm.xlane v3, v0;
	_ =	sdelay $0x1  }
0x51: {  	v4 =	vadd.s32 v1, v4;
	_ =	sdelay $0x1  }
0x52: {  	v3 =	vperm.xlane v3, v2;
	_ =	sdelay $0x1  }
0x53: {  	v3 =	vadd.s32 v1, v3  }
0x54: {  	[tilespmem:s17], [sflag:$0x1] =	stream.indirect_vreg.gather [hbm4b:s3+s2], $0x80, v4, vm0, $0xb8;
	[tilespmem:$0x3C80] =	vst v63  }
0x55: {  	_ = 	snop  }
0x56: {  	[tilespmem:s18], [sflag:$0x1] =	stream.indirect_vreg.gather [hbm4b:s5+s2], $0x80, v4, vm1, $0xb8;
	[tilespmem:$0x3C80] =	vst v63  }
0x57: {  	_ = 	snop  }
0x58: {  	[tilespmem:s19], [sflag:$0x1] =	stream.indirect_vreg.gather [hbm4b:s3+s2], $0x80, v3, vm0, $0xb8;
	[tilespmem:$0x3C80] =	vst v63  }
0x59: {  	_ = 	snop  }
0x5a: {  	[tilespmem:s20], [sflag:$0x1] =	stream.indirect_vreg.gather [hbm4b:s5+s2], $0x80, v3, vm1, $0xb8;
	[tilespmem:$0x3C80] =	vst v63  }
0x5b: {  	v3 =	vld [tilespmem:$0x10];
	_ =	sdelay $0x4  }
0x5c: {  	v53 =	vshrl.u32 v3, $0x3  }
0x5d: {  	v4 =	vmul.u32 $0x18, v53  }
0x5e: {  	v3 =	vand.u32 $0x7, v3  }
0x5f: {  	v3 =	vor.u32 v3, v4  }
0x60: {  	v4 =	vperm.xlane v3, v0;
	_ =	sdelay $0x1  }
0x61: {  	v4 =	vadd.s32 v1, v4;
	_ =	sdelay $0x1  }
0x62: {  	v3 =	vperm.xlane v3, v2;
	_ =	sdelay $0x1  }
0x63: {  	v3 =	vadd.s32 v1, v3  }
0x64: {  	[tilespmem:s21], [sflag:$0x1] =	stream.indirect_vreg.gather [hbm4b:s3+s2], $0x80, v4, vm0, $0xb8;
	[tilespmem:$0x3C80] =	vst v63  }
0x65: {  	_ = 	snop  }
0x66: {  	[tilespmem:s22], [sflag:$0x1] =	stream.indirect_vreg.gather [hbm4b:s5+s2], $0x80, v4, vm1, $0xb8;
	[tilespmem:$0x3C80] =	vst v63  }
0x67: {  	_ = 	snop  }
0x68: {  	[tilespmem:s23], [sflag:$0x1] =	stream.indirect_vreg.gather [hbm4b:s3+s2], $0x80, v3, vm0, $0xb8;
	[tilespmem:$0x3C80] =	vst v63  }
0x69: {  	_ = 	snop  }
0x6a: {  	[tilespmem:s24], [sflag:$0x1] =	stream.indirect_vreg.gather [hbm4b:s5+s2], $0x80, v3, vm1, $0xb8;
	[tilespmem:$0x3C80] =	vst v63  }
0x6b: {  	v3 =	vld.msk [tilespmem:$0x20], $0xff;
	_ =	sdelay $0x4  }
0x6c: {  	v54 =	vshrl.u32 v3, $0x3  }
0x6d: {  	v4 =	vmul.u32 $0x18, v54  }
0x6e: {  	v3 =	vand.u32 $0x7, v3  }
0x6f: {  	v3 =	vor.u32 v3, v4  }
0x70: {  	v3 =	vperm.xlane v3, v0;
	_ =	sdelay $0x1  }
0x71: {  	v3 =	vadd.s32 v1, v3;
	_ =	sdelay $0x4  }
0x72: {  	[tilespmem:s25], [sflag:$0x1] =	stream.indirect_vreg.gather [hbm4b:s3+s2], $0x80, v3, vm0, $0xb8;
	[tilespmem:$0x3C80] =	vst v63  }
0x73: {  	_ = 	snop  }
0x74: {  	[tilespmem:s26], [sflag:$0x1] =	stream.indirect_vreg.gather [hbm4b:s5+s2], $0x80, v3, vm1, $0xb8;
	[tilespmem:$0x3C80] =	vst v63  }
0x75: {  	_ =	swait.ge [sflag:s28], $0x3C00  }
0x76: {  	[sflag:s28] =	ssyncset.done $0x0  }
0x77: {  	[sflag:s28] =	ssyncadd.s32 $0xFFFFC400  }
0x78: {  	[hbm4b:s8+s2] =	stream.linear.scatter [tilespmem:s17], [sflag:$0x2], $0x3C00, $0x38;
	[tilespmem:$0x3C80] =	vst v63  }
0x79: {  	_ =	swait.ge [sflag:s16], $0x3C00  }
0x7a: {  	[sflag:s16] =	ssyncset.done $0x0  }
0x7b: {  	[sflag:s16] =	ssyncadd.s32 $0xFFFFC400  }
0x7c: {  	[tilespmem:s2], [sflag:$0x2] =	stream.linear.gather [hbm4b:s9+s2], $0x28, $0x38;
	[tilespmem:$0x3C80] =	vst v63  }
0x7d: {  	_ =	swait.ge [sflag:s16], $0x28  }
0x7e: {  	[sflag:s16] =	ssyncset.done $0x0  }
0x7f: {  	[sflag:s16] =	ssyncadd.s32 $0xFFFFFFD8  }
0x80: {  	v3 =	vld [tilespmem:$0x0];
	_ =	sdelay $0x4  }
0x81: {  	v55 =	vshrl.u32 v3, $0x3  }
0x82: {  	v4 =	vmul.u32 $0x18, v55  }
0x83: {  	v3 =	vand.u32 $0x7, v3  }
0x84: {  	v3 =	vor.u32 v3, v4  }
0x85: {  	v4 =	vperm.xlane v3, v0;
	_ =	sdelay $0x1  }
0x86: {  	v4 =	vadd.s32 v1, v4;
	_ =	sdelay $0x1  }
0x87: {  	v3 =	vperm.xlane v3, v2;
	_ =	sdelay $0x1  }
0x88: {  	v3 =	vadd.s32 v1, v3  }
0x89: {  	[tilespmem:s17], [sflag:$0x1] =	stream.indirect_vreg.gather [hbm4b:s3+s2], $0x80, v4, vm0, $0xb8;
	[tilespmem:$0x3C80] =	vst v63  }
0x8a: {  	_ = 	snop  }
0x8b: {  	[tilespmem:s18], [sflag:$0x1] =	stream.indirect_vreg.gather [hbm4b:s5+s2], $0x80, v4, vm1, $0xb8;
	[tilespmem:$0x3C80] =	vst v63  }
0x8c: {  	_ = 	snop  }
0x8d: {  	[tilespmem:s19], [sflag:$0x1] =	stream.indirect_vreg.gather [hbm4b:s3+s2], $0x80, v3, vm0, $0xb8;
	[tilespmem:$0x3C80] =	vst v63  }
0x8e: {  	_ = 	snop  }
0x8f: {  	[tilespmem:s20], [sflag:$0x1] =	stream.indirect_vreg.gather [hbm4b:s5+s2], $0x80, v3, vm1, $0xb8;
	[tilespmem:$0x3C80] =	vst v63  }
0x90: {  	v3 =	vld [tilespmem:$0x10];
	_ =	sdelay $0x4  }
0x91: {  	v56 =	vshrl.u32 v3, $0x3  }
0x92: {  	v4 =	vmul.u32 $0x18, v56  }
0x93: {  	v3 =	vand.u32 $0x7, v3  }
0x94: {  	v3 =	vor.u32 v3, v4  }
0x95: {  	v4 =	vperm.xlane v3, v0;
	_ =	sdelay $0x1  }
0x96: {  	v4 =	vadd.s32 v1, v4;
	_ =	sdelay $0x1  }
0x97: {  	v3 =	vperm.xlane v3, v2;
	_ =	sdelay $0x1  }
0x98: {  	v3 =	vadd.s32 v1, v3  }
0x99: {  	[tilespmem:s21], [sflag:$0x1] =	stream.indirect_vreg.gather [hbm4b:s3+s2], $0x80, v4, vm0, $0xb8;
	[tilespmem:$0x3C80] =	vst v63  }
0x9a: {  	_ = 	snop  }
0x9b: {  	[tilespmem:s22], [sflag:$0x1] =	stream.indirect_vreg.gather [hbm4b:s5+s2], $0x80, v4, vm1, $0xb8;
	[tilespmem:$0x3C80] =	vst v63  }
0x9c: {  	_ = 	snop  }
0x9d: {  	[tilespmem:s23], [sflag:$0x1] =	stream.indirect_vreg.gather [hbm4b:s3+s2], $0x80, v3, vm0, $0xb8;
	[tilespmem:$0x3C80] =	vst v63  }
0x9e: {  	_ = 	snop  }
0x9f: {  	[tilespmem:s24], [sflag:$0x1] =	stream.indirect_vreg.gather [hbm4b:s5+s2], $0x80, v3, vm1, $0xb8;
	[tilespmem:$0x3C80] =	vst v63  }
0xa0: {  	v3 =	vld.msk [tilespmem:$0x20], $0xff;
	_ =	sdelay $0x4  }
0xa1: {  	v57 =	vshrl.u32 v3, $0x3  }
0xa2: {  	v4 =	vmul.u32 $0x18, v57  }
0xa3: {  	v3 =	vand.u32 $0x7, v3  }
0xa4: {  	v3 =	vor.u32 v3, v4  }
0xa5: {  	v3 =	vperm.xlane v3, v0;
	_ =	sdelay $0x1  }
0xa6: {  	v3 =	vadd.s32 v1, v3;
	_ =	sdelay $0x4  }
0xa7: {  	[tilespmem:s25], [sflag:$0x1] =	stream.indirect_vreg.gather [hbm4b:s3+s2], $0x80, v3, vm0, $0xb8;
	[tilespmem:$0x3C80] =	vst v63  }
0xa8: {  	_ = 	snop  }
0xa9: {  	[tilespmem:s26], [sflag:$0x1] =	stream.indirect_vreg.gather [hbm4b:s5+s2], $0x80, v3, vm1, $0xb8;
	[tilespmem:$0x3C80] =	vst v63  }
0xaa: {  	_ =	swait.ge [sflag:s28], $0x3C00  }
0xab: {  	[sflag:s28] =	ssyncset.done $0x0  }
0xac: {  	[sflag:s28] =	ssyncadd.s32 $0xFFFFC400  }
0xad: {  	[hbm4b:s10+s2] =	stream.linear.scatter [tilespmem:s17], [sflag:$0x2], $0x3C00, $0x38;
	[tilespmem:$0x3C80] =	vst v63  }
0xae: {  	_ =	swait.ge [sflag:s16], $0x3C00  }
0xaf: {  	[sflag:s16] =	ssyncset.done $0x0  }
0xb0: {  	[sflag:s16] =	ssyncadd.s32 $0xFFFFC400  }
0xb1: {  	[tilespmem:s2], [sflag:$0x2] =	stream.linear.gather [hbm4b:s11+s2], $0x28, $0x38;
	[tilespmem:$0x3C80] =	vst v63  }
0xb2: {  	_ =	swait.ge [sflag:s16], $0x28  }
0xb3: {  	[sflag:s16] =	ssyncset.done $0x0  }
0xb4: {  	[sflag:s16] =	ssyncadd.s32 $0xFFFFFFD8  }
0xb5: {  	v3 =	vld [tilespmem:$0x0];
	_ =	sdelay $0x4  }
0xb6: {  	v58 =	vshrl.u32 v3, $0x3  }
0xb7: {  	v4 =	vmul.u32 $0x18, v58  }
0xb8: {  	v3 =	vand.u32 $0x7, v3  }
0xb9: {  	v3 =	vor.u32 v3, v4  }
0xba: {  	v4 =	vperm.xlane v3, v0;
	_ =	sdelay $0x1  }
0xbb: {  	v4 =	vadd.s32 v1, v4;
	_ =	sdelay $0x1  }
0xbc: {  	v3 =	vperm.xlane v3, v2;
	_ =	sdelay $0x1  }
0xbd: {  	v3 =	vadd.s32 v1, v3  }
0xbe: {  	[tilespmem:s17], [sflag:$0x1] =	stream.indirect_vreg.gather [hbm4b:s3+s2], $0x80, v4, vm0, $0xb8;
	[tilespmem:$0x3C80] =	vst v63  }
0xbf: {  	_ = 	snop  }
0xc0: {  	[tilespmem:s18], [sflag:$0x1] =	stream.indirect_vreg.gather [hbm4b:s5+s2], $0x80, v4, vm1, $0xb8;
	[tilespmem:$0x3C80] =	vst v63  }
0xc1: {  	_ = 	snop  }
0xc2: {  	[tilespmem:s19], [sflag:$0x1] =	stream.indirect_vreg.gather [hbm4b:s3+s2], $0x80, v3, vm0, $0xb8;
	[tilespmem:$0x3C80] =	vst v63  }
0xc3: {  	_ = 	snop  }
0xc4: {  	[tilespmem:s20], [sflag:$0x1] =	stream.indirect_vreg.gather [hbm4b:s5+s2], $0x80, v3, vm1, $0xb8;
	[tilespmem:$0x3C80] =	vst v63  }
0xc5: {  	v3 =	vld [tilespmem:$0x10];
	_ =	sdelay $0x4  }
0xc6: {  	v59 =	vshrl.u32 v3, $0x3  }
0xc7: {  	v4 =	vmul.u32 $0x18, v59  }
0xc8: {  	v3 =	vand.u32 $0x7, v3  }
0xc9: {  	v3 =	vor.u32 v3, v4  }
0xca: {  	v4 =	vperm.xlane v3, v0;
	_ =	sdelay $0x1  }
0xcb: {  	v4 =	vadd.s32 v1, v4;
	_ =	sdelay $0x1  }
0xcc: {  	v3 =	vperm.xlane v3, v2;
	_ =	sdelay $0x1  }
0xcd: {  	v3 =	vadd.s32 v1, v3  }
0xce: {  	[tilespmem:s21], [sflag:$0x1] =	stream.indirect_vreg.gather [hbm4b:s3+s2], $0x80, v4, vm0, $0xb8;
	[tilespmem:$0x3C80] =	vst v63  }
0xcf: {  	_ = 	snop  }
0xd0: {  	[tilespmem:s22], [sflag:$0x1] =	stream.indirect_vreg.gather [hbm4b:s5+s2], $0x80, v4, vm1, $0xb8;
	[tilespmem:$0x3C80] =	vst v63  }
0xd1: {  	_ = 	snop  }
0xd2: {  	[tilespmem:s23], [sflag:$0x1] =	stream.indirect_vreg.gather [hbm4b:s3+s2], $0x80, v3, vm0, $0xb8;
	[tilespmem:$0x3C80] =	vst v63  }
0xd3: {  	_ = 	snop  }
0xd4: {  	[tilespmem:s24], [sflag:$0x1] =	stream.indirect_vreg.gather [hbm4b:s5+s2], $0x80, v3, vm1, $0xb8;
	[tilespmem:$0x3C80] =	vst v63  }
0xd5: {  	v3 =	vld.msk [tilespmem:$0x20], $0xff;
	_ =	sdelay $0x4  }
0xd6: {  	v60 =	vshrl.u32 v3, $0x3  }
0xd7: {  	v4 =	vmul.u32 $0x18, v60  }
0xd8: {  	v3 =	vand.u32 $0x7, v3  }
0xd9: {  	v3 =	vor.u32 v3, v4  }
0xda: {  	v3 =	vperm.xlane v3, v0;
	_ =	sdelay $0x1  }
0xdb: {  	v3 =	vadd.s32 v1, v3;
	_ =	sdelay $0x4  }
0xdc: {  	[tilespmem:s25], [sflag:$0x1] =	stream.indirect_vreg.gather [hbm4b:s3+s2], $0x80, v3, vm0, $0xb8;
	[tilespmem:$0x3C80] =	vst v63  }
0xdd: {  	_ = 	snop  }
0xde: {  	[tilespmem:s26], [sflag:$0x1] =	stream.indirect_vreg.gather [hbm4b:s5+s2], $0x80, v3, vm1, $0xb8;
	[tilespmem:$0x3C80] =	vst v63  }
0xdf: {  	_ =	swait.ge [sflag:s28], $0x3C00  }
0xe0: {  	[sflag:s28] =	ssyncset.done $0x0  }
0xe1: {  	[sflag:s28] =	ssyncadd.s32 $0xFFFFC400  }
0xe2: {  	[hbm4b:s12+s2] =	stream.linear.scatter [tilespmem:s17], [sflag:$0x2], $0x3C00, $0x38;
	[tilespmem:$0x3C80] =	vst v63  }
0xe3: {  	_ =	swait.ge [sflag:s16], $0x3C00  }
0xe4: {  	[sflag:s16] =	ssyncset.done $0x0  }
0xe5: {  	[sflag:s16] =	ssyncadd.s32 $0xFFFFC400  }
0xe6: {  	[tilespmem:s2], [sflag:$0x2] =	stream.linear.gather [hbm4b:s13+s2], $0x28, $0x38;
	[tilespmem:$0x3C80] =	vst v63  }
0xe7: {  	_ =	swait.ge [sflag:s16], $0x28  }
0xe8: {  	[sflag:s16] =	ssyncset.done $0x0  }
0xe9: {  	[sflag:s16] =	ssyncadd.s32 $0xFFFFFFD8  }
0xea: {  	v3 =	vld [tilespmem:$0x0];
	_ =	sdelay $0x4  }
0xeb: {  	v61 =	vshrl.u32 v3, $0x3  }
0xec: {  	v4 =	vmul.u32 $0x18, v61  }
0xed: {  	v3 =	vand.u32 $0x7, v3  }
0xee: {  	v3 =	vor.u32 v3, v4  }
0xef: {  	v4 =	vperm.xlane v3, v0;
	_ =	sdelay $0x1  }
0xf0: {  	v4 =	vadd.s32 v1, v4;
	_ =	sdelay $0x1  }
0xf1: {  	v3 =	vperm.xlane v3, v2;
	_ =	sdelay $0x1  }
0xf2: {  	v3 =	vadd.s32 v1, v3  }
0xf3: {  	[tilespmem:s17], [sflag:$0x1] =	stream.indirect_vreg.gather [hbm4b:s3+s2], $0x80, v4, vm0, $0xb8;
	[tilespmem:$0x3C80] =	vst v63  }
0xf4: {  	_ = 	snop  }
0xf5: {  	[tilespmem:s18], [sflag:$0x1] =	stream.indirect_vreg.gather [hbm4b:s5+s2], $0x80, v4, vm1, $0xb8;
	[tilespmem:$0x3C80] =	vst v63  }
0xf6: {  	_ = 	snop  }
0xf7: {  	[tilespmem:s19], [sflag:$0x1] =	stream.indirect_vreg.gather [hbm4b:s3+s2], $0x80, v3, vm0, $0xb8;
	[tilespmem:$0x3C80] =	vst v63  }
0xf8: {  	_ = 	snop  }
0xf9: {  	[tilespmem:s20], [sflag:$0x1] =	stream.indirect_vreg.gather [hbm4b:s5+s2], $0x80, v3, vm1, $0xb8;
	[tilespmem:$0x3C80] =	vst v63  }
0xfa: {  	v3 =	vld [tilespmem:$0x10];
	_ =	sdelay $0x4  }
0xfb: {  	v62 =	vshrl.u32 v3, $0x3  }
0xfc: {  	v4 =	vmul.u32 $0x18, v62  }
0xfd: {  	v3 =	vand.u32 $0x7, v3  }
0xfe: {  	v3 =	vor.u32 v3, v4  }
0xff: {  	v4 =	vperm.xlane v3, v0;
	_ =	sdelay $0x1  }
0x100: {  	v4 =	vadd.s32 v1, v4;
	_ =	sdelay $0x1  }
0x101: {  	v3 =	vperm.xlane v3, v2;
	_ =	sdelay $0x1  }
0x102: {  	v3 =	vadd.s32 v1, v3  }
0x103: {  	[tilespmem:s21], [sflag:$0x1] =	stream.indirect_vreg.gather [hbm4b:s3+s2], $0x80, v4, vm0, $0xb8;
	[tilespmem:$0x3C80] =	vst v63  }
0x104: {  	_ = 	snop  }
0x105: {  	[tilespmem:s22], [sflag:$0x1] =	stream.indirect_vreg.gather [hbm4b:s5+s2], $0x80, v4, vm1, $0xb8;
	[tilespmem:$0x3C80] =	vst v63  }
0x106: {  	_ = 	snop  }
0x107: {  	[tilespmem:s23], [sflag:$0x1] =	stream.indirect_vreg.gather [hbm4b:s3+s2], $0x80, v3, vm0, $0xb8;
	[tilespmem:$0x3C80] =	vst v63  }
0x108: {  	_ = 	snop  }
0x109: {  	[tilespmem:s24], [sflag:$0x1] =	stream.indirect_vreg.gather [hbm4b:s5+s2], $0x80, v3, vm1, $0xb8;
	[tilespmem:$0x3C80] =	vst v63  }
0x10a: {  	v3 =	vld.msk [tilespmem:$0x20], $0xff;
	_ =	sdelay $0x4  }
0x10b: {  	v63 =	vshrl.u32 v3, $0x3  }
0x10c: {  	v4 =	vmul.u32 $0x18, v63  }
0x10d: {  	v3 =	vand.u32 $0x7, v3  }
0x10e: {  	v3 =	vor.u32 v3, v4  }
0x10f: {  	v3 =	vperm.xlane v3, v0;
	_ =	sdelay $0x1  }
0x110: {  	v3 =	vadd.s32 v1, v3;
	_ =	sdelay $0x4  }
0x111: {  	[tilespmem:s25], [sflag:$0x1] =	stream.indirect_vreg.gather [hbm4b:s3+s2], $0x80, v3, vm0, $0xb8;
	[tilespmem:$0x3C80] =	vst v63  }
0x112: {  	_ = 	snop  }
0x113: {  	[tilespmem:s26], [sflag:$0x1] =	stream.indirect_vreg.gather [hbm4b:s5+s2], $0x80, v3, vm1, $0xb8;
	[tilespmem:$0x3C80] =	vst v63  }
0x114: {  	_ =	swait.ge [sflag:s28], $0x3C00  }
0x115: {  	p0 =	sne.s32 s15, $0x1;
	[sflag:s28] =	ssyncset.done $0x0  }
.Ltmp0:
0x116: {  	[sflag:s28] =	ssyncadd.s32 $0xFFFFC400;
	(pc) =	sbr.rel @p0 .LBB2_1-.Ltmp0, $4  }
0x117: {  	[hbm4b:s14+s2] =	stream.linear.scatter [tilespmem:s17], [sflag:$0x2], $0x3C00, $0x38;
	[tilespmem:$0x3C80] =	vst v63  }
0x118: {  	_ =	swait.ge [sflag:s16], $0x3C00  }
0x119: {  	[sflag:s16] =	ssyncset.done $0x0  }
0x11a: {  	s15 =	sadd.s32 $0xFFFFFFFF, s15;
	[sflag:s16] =	ssyncadd.s32 $0xFFFFC400  }
0x11b: {  	_ =	sfence.sel $0x180000  }
0x11c: {  	[bflag:$0x0] =	sbarrier.arrive $0xFFFF  }
0x11d: {  	p0 =	sne.s32 s1, $0x0;
	_ =	strace $0x9000004D  }
0x11e: {  	s0 =	sadd.s32 @!p0 $0x100000, s0;
	[bflag:$0x2] =	sbarrier.arrive $0xFFFF  }
0x11f: {  	[sflag:s0] =	ssyncadd.tile.s32 @!p0 $0x1;
	_ =	shalt  }
.Lfunc_end2:
_tile_overlayer_lowered:
.L_overlay_start_2:
0x120: {  	(tag) =	ssettag $0x2  }
0x121: {  	s0 =	rddreg [dreg:$0x0];
	s2 =	stileid.u32  }
0x122: {  	s1 =	rddreg [dreg:$0x1];
	p0 =	sne.s32 s2, $0x0  }
0x123: {  	s3 =	rddreg [dreg:$0x2];
	[bflag:$0x3] =	sbarrier.arrive $0xFFFF;
	s2 =	simm.s32 @!p0 $0x1C02  }
0x124: {  	[timem:s3], [sflag:s2] =	dma.local @!p0 [hbm:s0], s1  }
0x125: {  	s0 =	simm.s32 @!p0 $0x2  }
0x126: {  	_ =	swait.ge @!p0 [sflag:s0], s1  }
0x127: {  	s1 =	ssub.s32 @!p0 $0x0, s1;
	[sflag:s0] =	ssyncset.done @!p0 $0x0  }
0x128: {  	[sflag:s0] =	ssyncadd.s32 @!p0 s1  }
0x129: {  	[bflag:$0x3] =	sbarrier.arrive $0xFFFF  }
0x12a: {  	_ =	shalt  }

// kernel: sparse-core-data-format-call.1.cloned.1.call-start
scs
called_computation.1_lowered:
.L_overlay_start_0:
0x0: {  	s1 =	sld [smem:$0x3FD9]  }
0x1: {  	s2 =	sld [smem:$0x3FFE];
	_ =	sdelay $0x1  }
0x2: {  	s3 =	srdreg.scid  }
0x3: {  	s0 =	sand.u32 $0x1, s3  }
0x4: {  	s17 =	sshll.u32 s0, $0xA;
	s1 =	sadd.s32 s2, s1  }
0x5: {  	s1 =	sadd.s32 s1, s17  }
0x6: {  	[smem:$0x3FBD] =	sst s1  }
0x7: {  	_ = 	snop  }
0x8: {  	(tm) =	ssettm $0x1  }
0x9: {  	s18 =	sld [smem:$0x3FFB];
	_ =	sdelay $0x3  }
0xa: {  	_ =	strace s18  }
0xb: {  	s1 =	sld [smem:$0x3FFC];
	_ =	sdelay $0x3  }
0xc: {  	_ =	strace s1  }
0xd: {  	s1 =	sld [smem:$0x3FFD];
	_ =	sdelay $0x3  }
0xe: {  	_ =	strace s1  }
0xf: {  	_ =	strace $0x8FFFFFFF  }
0x10: {  	s19 =	sld [smem:$0x3FDB];
	_ =	sdelay $0x1  }
0x11: {  	s20 =	simm.s32 $_scs_section_size  }
0x12: {  	s4 =	simm.s32 $_size__tile_overlayer_lowered;
	s5 =	simm.s32 $_tile_overlayer_lowered  }
0x13: {  	s23 =	simm.s32 $0x1BFF;
	s22 =	sshll.u32 s5, $0x1;
	s1 =	sadd.s32 s20, s19  }
0x14: {  	s6 =	simm.s32 $0x0;
	s21 =	sshll.u32 s4, $0x1;
	s4 =	sadd.s32 s22, s1  }
0x15: {  	[timem:s6], [sflag:s23] =	dma.local [hbm:s4], s21  }
0x16: {  	_ =	swait.ge [sflag:s23], s21  }
0x17: {  	s2 =	ssub.s32 $0x0, s21;
	[sflag:s23] =	ssyncset.done $0x0  }
0x18: {  	[sflag:s23] =	ssyncadd.s32 s2;
	_ =	sdelay $0x1  }
0x19: {  	s24 =	simm.s32 $0x1B8B  }
0x1a: {  	_ =	swait.ge [sflag:s24], $0x1  }
0x1b: {  	[sflag:s24] =	ssyncset.done $0x0  }
0x1c: {  	s26 =	simm.s32 $0x1B8E;
	s25 =	sld [smem:$0x3FFE];
	[sflag:s24] =	ssyncadd.s32 $0xFFFFFFFF  }
0x1d: {  	s27 =	simm.s32 $execute0_lowered;
	[smem:$0x3FD2] =	sst s26  }
0x1e: {  	s4 =	sshll.u32 s27, $0x1;
	_ =	strace $0x80000046;
	[dreg:$0x1] =	wrdreg $0xFFFFFFFF  }
0x1f: {  	s28 =	simm.s32 $_size_execute0_lowered;
	s1 =	sadd.s32 s1, s4;
	[dreg:$0x0] =	wrdreg $0x0  }
0x20: {  	s4 =	sshll.u32 s28, $0x1;
	[dreg:$0x2] =	wrdreg s1  }
0x21: {  	[dreg:$0x3] =	wrdreg s4  }
0x22: {  	[dreg:$0x4] =	wrdreg $0xC0  }
0x23: {  	_ =	task [dreg:s6], $0x5FFFF  }
0x24: {  	[dreg:$0x1] =	wrdreg $0xFFFFFFFF  }
0x25: {  	[dreg:$0x0] =	wrdreg $0x60  }
0x26: {  	[dreg:$0x2] =	wrdreg s25  }
0x27: {  	[dreg:$0x3] =	wrdreg $0x9  }
0x28: {  	_ =	task.clear_ibuf [dreg:s6], $0x4FFFF;
	_ =	strace $0x90000046  }
0x29: {  	s29 =	simm.s32 $0x9;
	_ =	strace $0x80000048  }
0x2a: {  	_ =	swait.ge [sflag:s29], $0x1  }
0x2b: {  	[sflag:s29] =	ssyncadd.s32 $0xFFFFFFFF  }
0x2c: {  	_ =	strace $0x90000048  }
0x2d: {  	_ =	sfence  }
0x2e: {  	s30 =	sld [smem:$0x0];
	_ =	sdelay $0x2  }
0x2f: {  	s31 =	sshll.u32 s3, $0xD;
	s3 =	sshrl.u32 s3, $0x2  }
0x30: {  	s2 =	sand.u32 $0x4000, s31;
	s1 =	sadd.s32 s3, s30  }
0x31: {  	s0 =	sor.u32 s2, s0;
	s1 =	sshll.u32 s1, $0x11  }
0x32: {  	s0 =	sor.u32 s1, s0  }
0x33: {  	s0 =	sadd.s32 $0x8F2B, s0  }
0x34: {  	[sflag:s0] =	ssyncadd.remote.s32 $0x1  }
0x35: {  	_ =	sfence.sel $0xFFFF  }
0x36: {  	[dreg:$0x0] =	wrdreg $0xFFFFFFFF;
	(pc) =	sbr.abs _section_cstart, $3  }
0x37: {  	[dreg:$0x1] =	wrdreg $0xFFFFFFFF  }
0x38: {  	_ =	task.clear_ibuf [dreg:s6], $0x2FFFF;
	_ =	strace $0x9FFFFFFF  }
0x39: {  	(tm) =	ssettm $0x7FFFFFFF  }
tec
execute0_lowered:
.L_overlay_start_1:
0x0: {  	(tag) =	ssettag $0x1  }
0x1: {  	s0 =	srdreg.scid  }
0x2: {  	s6 =	rddreg [dreg:$0x0];
	s3 =	simm.s32 $0x1;
	s7 =	simm.s32 $0x2  }
0x3: {  	s14 =	simm.s32 $0x0;
	p0 =	por $0x0, $0x0;
	s1 =	sshll.u32 s0, $0x4  }
0x4: {  	s8 =	simm.s32 $0x6400;
	s0 =	stileid.u32;
	s1 =	sand.u32 $0x10, s1  }
0x5: {  	s13 =	simm.s32 $0x0;
	s15 =	simm.s32 $0x0;
	s2 =	sor.u32 s0, s1  }
.Ltmp0:
0x6: {  	s9 =	simm.s32 $0x0;
	s4 =	ssub.s32 $0xE3, s2;
	(pc) =	sbr.rel .LBB1_1-.Ltmp0, $4  }
0x7: {  	s10 =	simm.s32 $0x0;
	s12 =	simm.s32 $0x0;
	s4 =	sshrl.u32 s4, $0x5  }
0x8: {  	s1 =	rddreg [dreg:$0x1];
	_ =	strace $0x80000047;
	s4 =	smul.u32 $0x6, s4  }
0x9: {  	s5 =	sadd.s32 $0x12B200, s6;
	s6 =	sadd.s32 $0x377200, s6;
	[sflag:s3] =	ssyncpa.u1 $0x0  }
0xa: {  	s11 =	smov.u32 s2;
	[sflag:s7] =	ssyncpa.u1 $0x0;
	s7 =	sor.u32 $0x1, s4  }
.LBB1_4:
0xb: {  	s15 =	sshll.u32 s15, $0x7;
	s21 =	sshll.u32 s13, $0x3;
	v5 =	vld [tilespmem:s19+$0xFFFFFFD0];
	[tilespmem:s18+$0x2040 ss:$0x81] =	vst.msk $0xffff, v4  }
0xc: {  	v58 =	vld [tilespmem:s19+$0xFFFFFFE0];
	[tilespmem:s18+$0x2850 ss:$0x81] =	vst.msk $0xffff, v3;
	s22 =	sand.u32 $0xFFFFFC00, s15;
	s21 =	sand.u32 $0xFFFFFC00, s21  }
0xd: {  	s20 =	sshra.s32 s20, $0x2;
	v59 =	vld [tilespmem:s19+$0xFFFFFFF0];
	[tilespmem:s18+$0x3060 ss:$0x81] =	vst.msk $0xffff, v2;
	s15 =	sand.u32 $0x380, s15;
	s21 =	sadd.s32 s22, s21  }
0xe: {  	v60 =	vld [tilespmem:s19+$0x0];
	[tilespmem:s18+$0x0 ss:$0x81] =	vst.msk $0xffff, v0;
	s17 =	sadd.s32 s20, s17;
	s15 =	sor.u32 s15, s21  }
0xf: {  	v61 =	vld [tilespmem:s19+$0x10];
	[tilespmem:s17+$0x3870 ss:$0x81] =	vst.msk $0xffff, v1;
	s15 =	sshrl.u32 s15, $0x7  }
0x10: {  	v62 =	vld [tilespmem:s19+$0x20];
	s29 =	smulhi.u32 $0x147AE15, s15;
	[tilespmem:s17+$0x810 ss:$0x81] =	vst.msk $0xffff, v5  }
0x11: {  	v63 =	vld [tilespmem:s19+$0xFFFFFFC0];
	s14 =	smul.u32 $0xC80, s14;
	[tilespmem:s17+$0x1020 ss:$0x81] =	vst.msk $0xffff, v58  }
0x12: {  	[tilespmem:s17+$0x1830 ss:$0x81] =	vst.msk $0xffff, v59;
	s18 =	smul.u32 $0xC8, s29  }
0x13: {  	s30 =	sshrl.u32 s13, $0x3;
	s31 =	sand.u32 $0x7, s13;
	[tilespmem:s17+$0x2040 ss:$0x81] =	vst.msk $0xffff, v60  }
0x14: {  	s14 =	sadd.s32 s6, s14;
	[tilespmem:s17+$0x2850 ss:$0x81] =	vst.msk $0xffff, v61;
	s15 =	ssub.s32 s15, s18;
	s18 =	sand.u32 $0xF, s30  }
0x15: {  	s13 =	sshll.u32 s31, $0x12;
	[tilespmem:s17+$0x3060 ss:$0x81] =	vst.msk $0xffff, v62;
	s15 =	sshll.u32 s15, $0x4;
	s14 =	sadd.s32 s18, s14  }
0x16: {  	s13 =	sor.u32 $0x80, s13;
	[tilespmem:s17+$0x0 ss:$0x81] =	vst.msk $0xffff, v63;
	s14 =	sadd.s32 s15, s14  }
0x17: {  	[hbm4b:s14+s13] =	stream.strided.scatter [tilespmem:s16], [sflag:$0x2], $0x4000, s8, s13, $0x20;
	[tilespmem:$0x10100] =	vst v63  }
.LBB1_5:
0x18: {  	s16 =	sadd.s32 $0x80, s9  }
0x19: {  	s13 =	sadd.s32 $0x80, s10;
	s17 =	smov.u32 s10;
	p2 =	sgt.s32 s16, $0x2FF  }
0x1a: {  	s17 =	smov.u32 @p2 s13  }
0x1b: {  	s19 =	smov.u32 s11;
	s13 =	sadd.s32 $0x20, s11;
	p3 =	sgt.s32 s17, $0x7F  }
0x1c: {  	s19 =	smov.u32 @p3 s13  }
0x1d: {  	s16 =	simm.s32 @p2 $0x0;
	p2 =	sgt.s32 s19, $0xC3  }
0x1e: {  	p1 =	slt.u32 s12, $0x2;
	s19 =	smov.u32 @p2 s2;
	p2 =	sne.s32 s12, s7  }
.Ltmp1:
0x1f: {  	s18 =	simm.s32 @!p1 $0x2;
	(pc) =	sbr.rel @!p2 .LBB1_6-.Ltmp1, $4  }
0x20: {  	s14 =	smov.u32 s9;
	s15 =	smov.u32 s11;
	_ =	swait.ge @!p1 [sflag:s18], $0x4000  }
0x21: {  	p0 =	por !p0, !p0;
	[sflag:s18] =	ssyncset.done @!p1 $0x0;
	s9 =	smov.u32 s16  }
0x22: {  	s17 =	simm.s32 @p3 $0x0;
	s13 =	smov.u32 s10;
	[sflag:s18] =	ssyncadd.s32 @!p1 $0xFFFFC000  }
0x23: {  	s10 =	smov.u32 s17;
	s12 =	sadd.s32 $0x1, s12;
	s11 =	smov.u32 s19  }
.LBB1_1:
0x24: {  	p1 =	sge.u32 s12, s4  }
0x25: {  	s16 =	sshrl.u32 @!p1 s10, $0x3  }
0x26: {  	s17 =	sshll.u32 @!p1 s9, $0x3;
	s16 =	smul.u32 @!p1 $0x1800, s16  }
0x27: {  	s18 =	sshll.u32 @!p1 s10, $0x7;
	s17 =	sand.u32 @!p1 $0xFFFFFC00, s17  }
0x28: {  	s16 =	sadd.s32 @!p1 s16, s17;
	s17 =	sand.u32 @!p1 $0x380, s18  }
0x29: {  	s18 =	sand.u32 @!p1 $0x7F, s9;
	s16 =	sor.u32 @!p1 s17, s16  }
0x2a: {  	s17 =	sor.u32 @!p1 s18, s16  }
0x2b: {  	s18 =	smulhi.u32 @!p1 $0xAAAAAAAB, s17  }
0x2c: {  	s16 =	smulhi.u32 @!p1 $0xAAAAAAAB, s16  }
0x2d: {  	s18 =	sshrl.u32 @!p1 s18, $0x9  }
0x2e: {  	s31 =	sadd.s32 $0xFFFFFFFF, s12;
	s16 =	sshrl.u32 @!p1 s16, $0x9;
	s18 =	smul.u32 @!p1 $0x300, s18  }
0x2f: {  	s19 =	sxor.u32 @!p1 $0xFFFFFFFF, s12;
	s20 =	smul.u32 @!p1 $0x3000, s11;
	s16 =	sand.u32 @!p1 $0x7F, s16  }
0x30: {  	s19 =	sshll.u32 @!p1 s19, $0xE;
	s16 =	smul.u32 @!p1 $0x60, s16;
	s17 =	ssub.s32 @!p1 s17, s18  }
0x31: {  	s18 =	sand.u32 @!p1 $0x4000, s19;
	s19 =	sadd.s32 @!p1 s5, s20;
	s20 =	sand.u32 @!p1 $0x7, s17  }
0x32: {  	s17 =	sshrl.u32 @!p1 s17, $0x3;
	s16 =	sadd.s32 @!p1 s16, s19;
	s19 =	sshll.u32 @!p1 s20, $0x12  }
0x33: {  	s16 =	sadd.s32 @!p1 s17, s16;
	s17 =	sor.u32 @!p1 $0x400, s19;
	s19 =	simm.s32 @!p1 $0x1800  }
0x34: {  	[tilespmem:s18], [sflag:$0x1] =	stream.strided.gather @!p1 [hbm4b:s16+s17], $0x4000, s19, s17, $0x38;
	[tilespmem:$0x10100] =	vst v63  }
0x35: {  	p1 =	sge.u32 s31, s4  }
.Ltmp2:
0x36: {  	_ = 	snop;
	(pc) =	sbr.rel @p1 .LBB1_5-.Ltmp2, $1  }
0x37: {  	_ =	sdelay $0x3  }
0x38: {  	s16 =	simm.s32 $0x1  }
0x39: {  	_ =	swait.ge [sflag:s3], $0x4000;
	s16 =	simm.s32 @!p0 $0x0  }
0x3a: {  	[sflag:s3] =	ssyncset.done $0x0;
	s17 =	sshll.u32 s16, $0xE  }
0x3b: {  	[sflag:s3] =	ssyncadd.s32 $0xFFFFC000;
	s19 =	sor.u32 $0x40, s17  }
0x3c: {  	s16 =	smul.u32 $0x10200, s16;
	v0 =	vld [tilespmem:s19+$0x30]  }
0x3d: {  	v1 =	vld [tilespmem:s19+$0xFFFFFFD0]  }
0x3e: {  	s16 =	sshrl.u32 s16, $0x2;
	v5 =	vld [tilespmem:s19+$0xFFFFFFE0]  }
0x3f: {  	v6 =	vld [tilespmem:s19+$0xFFFFFFF0];
	s17 =	sor.u32 $0x8000, s16  }
0x40: {  	s31 =	sand.u32 $0x1, s12;
	v4 =	vld [tilespmem:s19+$0x0];
	s18 =	sadd.s32 $0x0, s17  }
0x41: {  	v3 =	vld [tilespmem:s19+$0x10];
	s16 =	smul.u32 $0x10200, s31;
	[tilespmem:s18+$0x3870 ss:$0x81] =	vst.msk $0xffff, v0  }
0x42: {  	v2 =	vld [tilespmem:s19+$0x20];
	[tilespmem:s18+$0x810 ss:$0x81] =	vst.msk $0xffff, v1  }
0x43: {  	s16 =	sshrl.u32 s16, $0x2;
	v0 =	vld [tilespmem:s19+$0xFFFFFFC0];
	[tilespmem:s18+$0x1020 ss:$0x81] =	vst.msk $0xffff, v5;
	s19 =	sadd.s32 $0x80, s19  }
0x44: {  	s20 =	simm.s32 $0x4;
	s21 =	simm.s32 $0x8;
	s16 =	sor.u32 $0x8000, s16;
	[tilespmem:s18+$0x1830 ss:$0x81] =	vst.msk $0xffff, v6;
	v1 =	vld [tilespmem:s19+$0x30]  }
.LBB1_3:
0x45: {  	p1 =	sne.s32 s21, $0x1FC;
	v5 =	vld [tilespmem:s19+$0xFFFFFFD0];
	[tilespmem:s18+$0x2040 ss:$0x81] =	vst.msk $0xffff, v4  }
0x46: {  	v6 =	vld [tilespmem:s19+$0xFFFFFFE0];
	[tilespmem:s18+$0x2850 ss:$0x81] =	vst.msk $0xffff, v3  }
0x47: {  	s22 =	sshra.s32 s20, $0x2;
	s20 =	smov.u32 s21;
	v7 =	vld [tilespmem:s19+$0xFFFFFFF0];
	[tilespmem:s18+$0x3060 ss:$0x81] =	vst.msk $0xffff, v2  }
.Ltmp3:
0x48: {  	v4 =	vld [tilespmem:s19+$0x0];
	[tilespmem:s18+$0x0 ss:$0x81] =	vst.msk $0xffff, v0;
	s18 =	sadd.s32 s22, s17;
	(pc) =	sbr.rel @p1 .LBB1_3-.Ltmp3, $4  }
0x49: {  	v3 =	vld [tilespmem:s19+$0x10];
	[tilespmem:s18+$0x3870 ss:$0x81] =	vst.msk $0xffff, v1  }
0x4a: {  	[tilespmem:s18+$0x810 ss:$0x81] =	vst.msk $0xffff, v5;
	v2 =	vld [tilespmem:s19+$0x20]  }
0x4b: {  	v0 =	vld [tilespmem:s19+$0xFFFFFFC0];
	[tilespmem:s18+$0x1020 ss:$0x81] =	vst.msk $0xffff, v6;
	s19 =	sadd.s32 $0x80, s19  }
0x4c: {  	s21 =	sadd.s32 $0x4, s21;
	v1 =	vld [tilespmem:s19+$0x30];
	[tilespmem:s18+$0x1830 ss:$0x81] =	vst.msk $0xffff, v7  }
.Ltmp4:
0x4d: {  	_ = 	snop;
	(pc) =	sbr.rel .LBB1_4-.Ltmp4, $1  }
0x4e: {  	_ =	sdelay $0x3  }
.LBB1_6:
0x4f: {  	_ =	sfence.sel $0x180000  }
0x50: {  	s2 =	simm.s32 $0x1;
	[bflag:$0x0] =	sbarrier.arrive $0xFFFF  }
0x51: {  	s31 =	simm.s32 $0x2;
	[sflag:s2] =	ssyncpa.u1 $0x1  }
0x52: {  	[sflag:s31] =	ssyncpa.u1 $0x1  }
0x53: {  	p0 =	sne.s32 s0, $0x0;
	_ =	strace $0x90000047  }
0x54: {  	s0 =	sadd.s32 @!p0 $0x100000, s1;
	[bflag:$0x2] =	sbarrier.arrive $0xFFFF  }
0x55: {  	[sflag:s0] =	ssyncadd.tile.s32 @!p0 $0x1;
	_ =	shalt  }
.Lfunc_end1:
_tile_overlayer_lowered:
.L_overlay_start_2:
0x56: {  	(tag) =	ssettag $0x2  }
0x57: {  	s0 =	rddreg [dreg:$0x0];
	s2 =	stileid.u32  }
0x58: {  	s1 =	rddreg [dreg:$0x1];
	p0 =	sne.s32 s2, $0x0  }
0x59: {  	s3 =	rddreg [dreg:$0x2];
	[bflag:$0x3] =	sbarrier.arrive $0xFFFF;
	s2 =	simm.s32 @!p0 $0x1C01  }
0x5a: {  	[timem:s3], [sflag:s2] =	dma.local @!p0 [hbm:s0], s1  }
0x5b: {  	s0 =	simm.s32 @!p0 $0x1  }
0x5c: {  	_ =	swait.ge @!p0 [sflag:s0], s1  }
0x5d: {  	s1 =	ssub.s32 @!p0 $0x0, s1;
	[sflag:s0] =	ssyncset.done @!p0 $0x0  }
0x5e: {  	[sflag:s0] =	ssyncadd.s32 @!p0 s1  }
0x5f: {  	[bflag:$0x3] =	sbarrier.arrive $0xFFFF  }
0x60: {  	_ =	shalt  }

// kernel: sparse-core-data-format-call.cloned.1.call-start
scs
called_computation_lowered:
.L_overlay_start_0:
0x0: {  	s1 =	sld [smem:$0x3FD9]  }
0x1: {  	s2 =	sld [smem:$0x3FFE];
	_ =	sdelay $0x1  }
0x2: {  	s3 =	srdreg.scid  }
0x3: {  	s0 =	sand.u32 $0x1, s3  }
0x4: {  	s17 =	sshll.u32 s0, $0xA;
	s1 =	sadd.s32 s2, s1  }
0x5: {  	s1 =	sadd.s32 s1, s17  }
0x6: {  	[smem:$0x3FBD] =	sst s1  }
0x7: {  	_ = 	snop  }
0x8: {  	(tm) =	ssettm $0x1  }
0x9: {  	s18 =	sld [smem:$0x3FFB];
	_ =	sdelay $0x3  }
0xa: {  	_ =	strace s18  }
0xb: {  	s1 =	sld [smem:$0x3FFC];
	_ =	sdelay $0x3  }
0xc: {  	_ =	strace s1  }
0xd: {  	s1 =	sld [smem:$0x3FFD];
	_ =	sdelay $0x3  }
0xe: {  	_ =	strace s1  }
0xf: {  	_ =	strace $0x8FFFFFFF  }
0x10: {  	s19 =	sld [smem:$0x3FDB];
	_ =	sdelay $0x1  }
0x11: {  	s20 =	simm.s32 $_scs_section_size  }
0x12: {  	s4 =	simm.s32 $_size__tile_overlayer_lowered;
	s5 =	simm.s32 $_tile_overlayer_lowered  }
0x13: {  	s23 =	simm.s32 $0x1BFF;
	s22 =	sshll.u32 s5, $0x1;
	s1 =	sadd.s32 s20, s19  }
0x14: {  	s6 =	simm.s32 $0x0;
	s21 =	sshll.u32 s4, $0x1;
	s4 =	sadd.s32 s22, s1  }
0x15: {  	[timem:s6], [sflag:s23] =	dma.local [hbm:s4], s21  }
0x16: {  	_ =	swait.ge [sflag:s23], s21  }
0x17: {  	s2 =	ssub.s32 $0x0, s21;
	[sflag:s23] =	ssyncset.done $0x0  }
0x18: {  	[sflag:s23] =	ssyncadd.s32 s2;
	_ =	sdelay $0x1  }
0x19: {  	s24 =	simm.s32 $0x1B8B  }
0x1a: {  	_ =	swait.ge [sflag:s24], $0x1  }
0x1b: {  	[sflag:s24] =	ssyncset.done $0x0  }
0x1c: {  	s26 =	simm.s32 $0x1B8E;
	s25 =	sld [smem:$0x3FFE];
	[sflag:s24] =	ssyncadd.s32 $0xFFFFFFFF  }
0x1d: {  	s27 =	simm.s32 $execute0_lowered;
	[smem:$0x3FD2] =	sst s26  }
0x1e: {  	s4 =	sshll.u32 s27, $0x1;
	_ =	strace $0x80000049;
	[dreg:$0x1] =	wrdreg $0xFFFFFFFF  }
0x1f: {  	s28 =	simm.s32 $_size_execute0_lowered;
	s1 =	sadd.s32 s1, s4;
	[dreg:$0x0] =	wrdreg $0x0  }
0x20: {  	s4 =	sshll.u32 s28, $0x1;
	[dreg:$0x2] =	wrdreg s1  }
0x21: {  	[dreg:$0x3] =	wrdreg s4  }
0x22: {  	[dreg:$0x4] =	wrdreg $0xC0  }
0x23: {  	_ =	task [dreg:s6], $0x5FFFF  }
0x24: {  	[dreg:$0x1] =	wrdreg $0xFFFFFFFF  }
0x25: {  	[dreg:$0x0] =	wrdreg $0x60  }
0x26: {  	[dreg:$0x2] =	wrdreg s25  }
0x27: {  	[dreg:$0x3] =	wrdreg $0x9  }
0x28: {  	_ =	task.clear_ibuf [dreg:s6], $0x4FFFF;
	_ =	strace $0x90000049  }
0x29: {  	s29 =	simm.s32 $0x9;
	_ =	strace $0x8000004B  }
0x2a: {  	_ =	swait.ge [sflag:s29], $0x1  }
0x2b: {  	[sflag:s29] =	ssyncadd.s32 $0xFFFFFFFF  }
0x2c: {  	_ =	strace $0x9000004B  }
0x2d: {  	_ =	sfence  }
0x2e: {  	s30 =	sld [smem:$0x0];
	_ =	sdelay $0x2  }
0x2f: {  	s31 =	sshll.u32 s3, $0xD;
	s3 =	sshrl.u32 s3, $0x2  }
0x30: {  	s2 =	sand.u32 $0x4000, s31;
	s1 =	sadd.s32 s3, s30  }
0x31: {  	s0 =	sor.u32 s2, s0;
	s1 =	sshll.u32 s1, $0x11  }
0x32: {  	s0 =	sor.u32 s1, s0  }
0x33: {  	s0 =	sadd.s32 $0x8F2B, s0  }
0x34: {  	[sflag:s0] =	ssyncadd.remote.s32 $0x1  }
0x35: {  	_ =	sfence.sel $0xFFFF  }
0x36: {  	[dreg:$0x0] =	wrdreg $0xFFFFFFFF;
	(pc) =	sbr.abs _section_cstart, $3  }
0x37: {  	[dreg:$0x1] =	wrdreg $0xFFFFFFFF  }
0x38: {  	_ =	task.clear_ibuf [dreg:s6], $0x2FFFF;
	_ =	strace $0x9FFFFFFF  }
0x39: {  	(tm) =	ssettm $0x7FFFFFFF  }
tec
execute0_lowered:
.L_overlay_start_1:
0x0: {  	(tag) =	ssettag $0x1  }
0x1: {  	s0 =	srdreg.scid  }
0x2: {  	s1 =	sshll.u32 s0, $0x4  }
0x3: {  	s0 =	stileid.u32;
	s1 =	sand.u32 $0x10, s1  }
0x4: {  	s1 =	sor.u32 s0, s1  }
0x5: {  	s6 =	rddreg [dreg:$0x0];
	s7 =	simm.s32 $0x2;
	s2 =	sshll.u32 s1, $0x7  }
0x6: {  	s13 =	simm.s32 $0x0;
	s8 =	simm.s32 $0xC00;
	s1 =	ssub.s32 $0x6200, s2  }
0x7: {  	s12 =	simm.s32 $0x0;
	s10 =	simm.s32 $0x0;
	s3 =	sand.u32 $0xF80, s1  }
0x8: {  	s11 =	simm.s32 $0x0;
	p0 =	sne.s32 s3, $0x0;
	s3 =	simm.s32 $0x1  }
.Ltmp0:
0x9: {  	s4 =	sshrl.u32 s1, $0xC;
	s3 =	simm.s32 @!p0 $0x0;
	(pc) =	sbr.rel .LBB1_1-.Ltmp0, $4  }
0xa: {  	s5 =	sadd.s32 $0x2200, s6;
	s1 =	rddreg [dreg:$0x1];
	s4 =	sadd.s32 s3, s4  }
0xb: {  	_ =	strace $0x8000004A;
	s3 =	simm.s32 $0x1;
	s4 =	smul.u32 $0x3, s4  }
0xc: {  	s6 =	sadd.s32 $0x12B200, s6;
	s9 =	smov.u32 s2;
	[sflag:s3] =	ssyncpa.u1 $0x0  }
0xd: {  	p0 =	por $0x0, $0x0;
	[sflag:s7] =	ssyncpa.u1 $0x0;
	s7 =	sadd.s32 $0x1, s4  }
.LBB1_4:
0xe: {  	s19 =	sshrl.u32 s13, $0x3  }
0xf: {  	s20 =	sshll.u32 s12, $0x3;
	s19 =	smul.u32 $0xC00, s19  }
0x10: {  	s24 =	sshll.u32 s13, $0x7;
	s20 =	sand.u32 $0xFFFFFC00, s20  }
0x11: {  	s13 =	sand.u32 $0x380, s24;
	s19 =	sadd.s32 s20, s19  }
0x12: {  	s13 =	sor.u32 s13, s19  }
0x13: {  	v5 =	vld [tilespmem:s16+$0xFFFFFFD0];
	[tilespmem:s17+$0x2040 ss:$0x81] =	vst.msk $0xffff, v4;
	s25 =	sand.u32 $0x7F, s12;
	s19 =	smulhi.u32 $0xAAAAAAAB, s13  }
0x14: {  	v58 =	vld [tilespmem:s16+$0xFFFFFFE0];
	[tilespmem:s17+$0x2850 ss:$0x81] =	vst.msk $0xffff, v3;
	s12 =	sor.u32 s25, s13  }
0x15: {  	s26 =	sshra.s32 s18, $0x2;
	v59 =	vld [tilespmem:s16+$0xFFFFFFF0];
	[tilespmem:s17+$0x3060 ss:$0x81] =	vst.msk $0xffff, v2;
	s27 =	smulhi.u32 $0xAAAAAAAB, s12;
	s19 =	sshrl.u32 s19, $0x8  }
0x16: {  	v60 =	vld [tilespmem:s16+$0x0];
	[tilespmem:s17+$0x0 ss:$0x81] =	vst.msk $0xffff, v0;
	s13 =	sadd.s32 s26, s15;
	s28 =	smulhi.u32 $0x14E5E0B, s19  }
0x17: {  	v61 =	vld [tilespmem:s16+$0x10];
	[tilespmem:s13+$0x3870 ss:$0x81] =	vst.msk $0xffff, v1;
	s29 =	sshrl.u32 s27, $0x8  }
0x18: {  	v62 =	vld [tilespmem:s16+$0x20];
	[tilespmem:s13+$0x810 ss:$0x81] =	vst.msk $0xffff, v5;
	s17 =	smul.u32 $0x180, s29;
	s15 =	sshrl.u32 s28, $0x7  }
0x19: {  	v63 =	vld [tilespmem:s16+$0xFFFFFFC0];
	[tilespmem:s13+$0x1020 ss:$0x81] =	vst.msk $0xffff, v58;
	s15 =	smul.u32 $0x6200, s15  }
0x1a: {  	[tilespmem:s13+$0x1830 ss:$0x81] =	vst.msk $0xffff, v59  }
0x1b: {  	[tilespmem:s13+$0x2040 ss:$0x81] =	vst.msk $0xffff, v60;
	s12 =	ssub.s32 s12, s17;
	s15 =	ssub.s32 s19, s15  }
0x1c: {  	[tilespmem:s13+$0x2850 ss:$0x81] =	vst.msk $0xffff, v61;
	s30 =	sshrl.u32 s12, $0x3;
	s12 =	sand.u32 $0x7, s12;
	s15 =	smul.u32 $0x30, s15  }
0x1d: {  	[tilespmem:s13+$0x3060 ss:$0x81] =	vst.msk $0xffff, v62;
	s16 =	sadd.s32 s6, s30;
	s12 =	sshll.u32 s12, $0x12  }
0x1e: {  	[tilespmem:s13+$0x0 ss:$0x81] =	vst.msk $0xffff, v63;
	s12 =	sor.u32 $0x400, s12;
	s31 =	sadd.s32 s15, s16  }
0x1f: {  	[hbm4b:s31+s12] =	stream.strided.scatter [tilespmem:s14], [sflag:$0x2], $0x4000, s8, s12, $0x20;
	[tilespmem:$0x10100] =	vst v63  }
.LBB1_5:
0x20: {  	s14 =	sadd.s32 $0x1000, s9  }
0x21: {  	s12 =	sadd.s32 $0x80, s10;
	s16 =	smov.u32 s10;
	p2 =	sgt.s32 s14, $0x61FF  }
0x22: {  	s16 =	smov.u32 @p2 s12  }
0x23: {  	s14 =	smov.u32 @p2 s2;
	p2 =	sgt.s32 s16, $0x17F  }
0x24: {  	s16 =	simm.s32 @p2 $0x0;
	p2 =	sne.s32 s11, s7  }
.Ltmp1:
0x25: {  	p1 =	slt.u32 s11, $0x2;
	(pc) =	sbr.rel @!p2 .LBB1_6-.Ltmp1, $4  }
0x26: {  	s15 =	simm.s32 @!p1 $0x2  }
0x27: {  	s13 =	smov.u32 s9;
	p0 =	por !p0, !p0;
	_ =	swait.ge @!p1 [sflag:s15], $0x4000  }
0x28: {  	s12 =	smov.u32 s10;
	[sflag:s15] =	ssyncset.done @!p1 $0x0;
	s9 =	smov.u32 s14  }
0x29: {  	s11 =	sadd.s32 $0x1, s11;
	[sflag:s15] =	ssyncadd.s32 @!p1 $0xFFFFC000;
	s10 =	smov.u32 s16  }
.LBB1_1:
0x2a: {  	p1 =	sge.u32 s11, s4  }
0x2b: {  	s14 =	sshrl.u32 @!p1 s10, $0x3  }
0x2c: {  	s15 =	sshll.u32 @!p1 s9, $0x3;
	s14 =	smul.u32 @!p1 $0x31000, s14  }
0x2d: {  	s16 =	sshll.u32 @!p1 s10, $0x7;
	s15 =	sand.u32 @!p1 $0xFFFFFC00, s15  }
0x2e: {  	s14 =	sadd.s32 @!p1 s14, s15;
	s15 =	sand.u32 @!p1 $0x380, s16  }
0x2f: {  	s16 =	sand.u32 @!p1 $0x7F, s9;
	s14 =	sor.u32 @!p1 s15, s14  }
0x30: {  	s15 =	sor.u32 @!p1 s16, s14;
	s14 =	smulhi.u32 @!p1 $0x5397829D, s14  }
0x31: {  	s16 =	smulhi.u32 @!p1 $0x5397829D, s15  }
0x32: {  	s14 =	sshrl.u32 @!p1 s14, $0xD  }
0x33: {  	s16 =	sshrl.u32 @!p1 s16, $0xD;
	s17 =	smulhi.u32 @!p1 $0xAAAAAB, s14  }
0x34: {  	s16 =	smul.u32 @!p1 $0x6200, s16  }
0x35: {  	s17 =	smul.u32 @!p1 $0x180, s17  }
0x36: {  	s31 =	sadd.s32 $0xFFFFFFFF, s11;
	s18 =	sxor.u32 @!p1 $0xFFFFFFFF, s11  }
0x37: {  	s15 =	ssub.s32 @!p1 s15, s16;
	s16 =	sshll.u32 @!p1 s18, $0xE;
	s14 =	ssub.s32 @!p1 s14, s17  }
0x38: {  	s17 =	sshrl.u32 @!p1 s15, $0x3;
	s15 =	sand.u32 @!p1 $0x7, s15;
	s14 =	smul.u32 @!p1 $0xC40, s14  }
0x39: {  	s16 =	sand.u32 @!p1 $0x4000, s16;
	s17 =	sadd.s32 @!p1 s5, s17;
	s15 =	sshll.u32 @!p1 s15, $0x12  }
0x3a: {  	s15 =	sor.u32 @!p1 $0x400, s15;
	s14 =	sadd.s32 @!p1 s14, s17;
	s17 =	simm.s32 @!p1 $0x31000  }
0x3b: {  	[tilespmem:s16], [sflag:$0x1] =	stream.strided.gather @!p1 [hbm4b:s14+s15], $0x4000, s17, s15, $0x38;
	[tilespmem:$0x10100] =	vst v63  }
0x3c: {  	p1 =	sge.u32 s31, s4  }
.Ltmp2:
0x3d: {  	_ = 	snop;
	(pc) =	sbr.rel @p1 .LBB1_5-.Ltmp2, $1  }
0x3e: {  	_ =	sdelay $0x3  }
0x3f: {  	s14 =	simm.s32 $0x1  }
0x40: {  	_ =	swait.ge [sflag:s3], $0x4000;
	s14 =	simm.s32 @!p0 $0x0  }
0x41: {  	[sflag:s3] =	ssyncset.done $0x0;
	s15 =	sshll.u32 s14, $0xE  }
0x42: {  	[sflag:s3] =	ssyncadd.s32 $0xFFFFC000;
	s16 =	sor.u32 $0x40, s15  }
0x43: {  	s14 =	smul.u32 $0x10200, s14;
	v0 =	vld [tilespmem:s16+$0x30]  }
0x44: {  	v1 =	vld [tilespmem:s16+$0xFFFFFFD0]  }
0x45: {  	s14 =	sshrl.u32 s14, $0x2;
	v5 =	vld [tilespmem:s16+$0xFFFFFFE0]  }
0x46: {  	v6 =	vld [tilespmem:s16+$0xFFFFFFF0];
	s15 =	sor.u32 $0x8000, s14  }
0x47: {  	s31 =	sand.u32 $0x1, s11;
	v4 =	vld [tilespmem:s16+$0x0];
	s17 =	sadd.s32 $0x0, s15  }
0x48: {  	v3 =	vld [tilespmem:s16+$0x10];
	s14 =	smul.u32 $0x10200, s31;
	[tilespmem:s17+$0x3870 ss:$0x81] =	vst.msk $0xffff, v0  }
0x49: {  	v2 =	vld [tilespmem:s16+$0x20];
	[tilespmem:s17+$0x810 ss:$0x81] =	vst.msk $0xffff, v1  }
0x4a: {  	s14 =	sshrl.u32 s14, $0x2;
	v0 =	vld [tilespmem:s16+$0xFFFFFFC0];
	[tilespmem:s17+$0x1020 ss:$0x81] =	vst.msk $0xffff, v5;
	s16 =	sadd.s32 $0x80, s16  }
0x4b: {  	s18 =	simm.s32 $0x4;
	s19 =	simm.s32 $0x8;
	s14 =	sor.u32 $0x8000, s14;
	[tilespmem:s17+$0x1830 ss:$0x81] =	vst.msk $0xffff, v6;
	v1 =	vld [tilespmem:s16+$0x30]  }
.LBB1_3:
0x4c: {  	p1 =	sne.s32 s19, $0x1FC;
	v5 =	vld [tilespmem:s16+$0xFFFFFFD0];
	[tilespmem:s17+$0x2040 ss:$0x81] =	vst.msk $0xffff, v4  }
0x4d: {  	v6 =	vld [tilespmem:s16+$0xFFFFFFE0];
	[tilespmem:s17+$0x2850 ss:$0x81] =	vst.msk $0xffff, v3  }
0x4e: {  	s20 =	sshra.s32 s18, $0x2;
	s18 =	smov.u32 s19;
	v7 =	vld [tilespmem:s16+$0xFFFFFFF0];
	[tilespmem:s17+$0x3060 ss:$0x81] =	vst.msk $0xffff, v2  }
.Ltmp3:
0x4f: {  	v4 =	vld [tilespmem:s16+$0x0];
	[tilespmem:s17+$0x0 ss:$0x81] =	vst.msk $0xffff, v0;
	s17 =	sadd.s32 s20, s15;
	(pc) =	sbr.rel @p1 .LBB1_3-.Ltmp3, $4  }
0x50: {  	v3 =	vld [tilespmem:s16+$0x10];
	[tilespmem:s17+$0x3870 ss:$0x81] =	vst.msk $0xffff, v1  }
0x51: {  	[tilespmem:s17+$0x810 ss:$0x81] =	vst.msk $0xffff, v5;
	v2 =	vld [tilespmem:s16+$0x20]  }
0x52: {  	v0 =	vld [tilespmem:s16+$0xFFFFFFC0];
	[tilespmem:s17+$0x1020 ss:$0x81] =	vst.msk $0xffff, v6;
	s16 =	sadd.s32 $0x80, s16  }
0x53: {  	s19 =	sadd.s32 $0x4, s19;
	v1 =	vld [tilespmem:s16+$0x30];
	[tilespmem:s17+$0x1830 ss:$0x81] =	vst.msk $0xffff, v7  }
.Ltmp4:
0x54: {  	_ = 	snop;
	(pc) =	sbr.rel .LBB1_4-.Ltmp4, $1  }
0x55: {  	_ =	sdelay $0x3  }
.LBB1_6:
0x56: {  	_ =	sfence.sel $0x180000  }
0x57: {  	s2 =	simm.s32 $0x1;
	[bflag:$0x0] =	sbarrier.arrive $0xFFFF  }
0x58: {  	s31 =	simm.s32 $0x2;
	[sflag:s2] =	ssyncpa.u1 $0x1  }
0x59: {  	[sflag:s31] =	ssyncpa.u1 $0x1  }
0x5a: {  	p0 =	sne.s32 s0, $0x0;
	_ =	strace $0x9000004A  }
0x5b: {  	s0 =	sadd.s32 @!p0 $0x100000, s1;
	[bflag:$0x2] =	sbarrier.arrive $0xFFFF  }
0x5c: {  	[sflag:s0] =	ssyncadd.tile.s32 @!p0 $0x1;
	_ =	shalt  }
.Lfunc_end1:
_tile_overlayer_lowered:
.L_overlay_start_2:
0x5d: {  	(tag) =	ssettag $0x2  }
0x5e: {  	s0 =	rddreg [dreg:$0x0];
	s2 =	stileid.u32  }
0x5f: {  	s1 =	rddreg [dreg:$0x1];
	p0 =	sne.s32 s2, $0x0  }
0x60: {  	s3 =	rddreg [dreg:$0x2];
	[bflag:$0x3] =	sbarrier.arrive $0xFFFF;
	s2 =	simm.s32 @!p0 $0x1C01  }
0x61: {  	[timem:s3], [sflag:s2] =	dma.local @!p0 [hbm:s0], s1  }
0x62: {  	s0 =	simm.s32 @!p0 $0x1  }
0x63: {  	_ =	swait.ge @!p0 [sflag:s0], s1  }
0x64: {  	s1 =	ssub.s32 @!p0 $0x0, s1;
	[sflag:s0] =	ssyncset.done @!p0 $0x0  }
0x65: {  	[sflag:s0] =	ssyncadd.s32 @!p0 s1  }
0x66: {  	[bflag:$0x3] =	sbarrier.arrive $0xFFFF  }
0x67: {  	_ =	shalt  }

</sc_bundles>
